<compile_context>
chip_gen: v7x
topology: tpu7x:2x2x1
jax: 0.10.2.dev20260603
libtpu: 0.0.44.dev20260713+nightly
codegen_flags: <defaults>
</compile_context>

<pallas_src>
import functools

import jax
import jax.numpy as jnp
from jax import lax
from jax.experimental import pallas as pl
from jax.experimental.pallas import tpu as pltpu
from jax.experimental.pallas import tpu_sc as plsc

NA = 10000
D = 512
E = 80000
NCH = 4
CW = D // NCH
NC = 2
NS = 16
NW = NC * NS
EPAD = 81920
EPW = EPAD // NW
SUB = 128
NSUB = EPW // SUB
RPT = 640
NPAD = NS * RPT
TRASH = NA

RB = 10
BR = NA // RB


def _sc_aggregate(xflat, src_idx, dst_idx, zeros):
    mesh = plsc.VectorSubcoreMesh(core_axis_name="c", subcore_axis_name="s")

    @functools.partial(
        pl.kernel,
        mesh=mesh,
        out_type=jax.ShapeDtypeStruct((NCH * NC * NPAD, CW), jnp.float32),
        scratch_types=[
            pltpu.VMEM((NSUB, SUB), jnp.int32),
            pltpu.VMEM((NSUB, SUB), jnp.int32),
            pltpu.VMEM((SUB, CW), jnp.float32),
            pltpu.VMEM_SHARED((NPAD, CW), jnp.float32),
        ],
    )
    def k(x_hbm, src_hbm, dst_hbm, zeros_hbm, out_hbm,
          src_v, dst_v, rows_v, agg):
        core = lax.axis_index("c")
        sid = lax.axis_index("s")
        wid = core * NS + sid
        my_rows = sid * RPT
        pltpu.sync_copy(dst_hbm.at[wid], dst_v)
        for c in range(NCH):
            pltpu.sync_copy(zeros_hbm, agg.at[pl.ds(my_rows, RPT), :])
            pltpu.sync_copy(src_hbm.at[c, wid], src_v)
            plsc.subcore_barrier()

            def body(j, carry):
                pltpu.sync_copy(x_hbm.at[src_v.at[j]], rows_v)
                pltpu.sync_copy(rows_v, agg.at[dst_v.at[j]], add=True)
                return carry

            lax.fori_loop(0, NSUB, body, 0)
            plsc.subcore_barrier()
            out_base = (c * NC + core) * NPAD + my_rows
            pltpu.sync_copy(agg.at[pl.ds(my_rows, RPT), :],
                            out_hbm.at[pl.ds(out_base, RPT), :])

    return k(xflat, src_idx, dst_idx, zeros)


def _dense_body(agg_ref, x_ref, wl_ref, wrot_ref, wres_ref, b1_ref, b2_ref,
                out_ref, stats_ref):
    i = pl.program_id(0)
    c = pl.program_id(1)
    part = agg_ref[0, 0] + agg_ref[0, 1]
    contrib = jnp.dot(part, wl_ref[0], preferred_element_type=jnp.float32)

    @pl.when(c == 0)
    def _init():
        out_ref[...] = contrib

    @pl.when(c > 0)
    def _acc():
        out_ref[...] += contrib

    @pl.when(c == NCH - 1)
    def _finish():
        xb = x_ref[...]
        lin = (out_ref[...]
               + jnp.dot(xb, wrot_ref[...], preferred_element_type=jnp.float32)
               + b1_ref[...])
        res = jnp.maximum(
            jnp.dot(xb, wres_ref[...], preferred_element_type=jnp.float32)
            + b2_ref[...], 0.0)
        pre = jnp.maximum(lin, 0.0) + res
        out_ref[...] = pre
        s1 = jnp.sum(pre, axis=0, keepdims=True)
        s2 = jnp.sum(pre * pre, axis=0, keepdims=True)
        st = jnp.concatenate([s1, s2, jnp.zeros((6, D), jnp.float32)], axis=0)

        @pl.when(i == 0)
        def _st_init():
            stats_ref[...] = st

        @pl.when(i > 0)
        def _st_acc():
            stats_ref[...] += st


def _dense(agg, x, wl4, wrot_t, wres_t, b1, b2):
    return pl.pallas_call(
        _dense_body,
        grid=(RB, NCH),
        in_specs=[
            pl.BlockSpec((1, NC, BR, CW), lambda i, c: (c, 0, i, 0)),
            pl.BlockSpec((BR, D), lambda i, c: (i, 0)),
            pl.BlockSpec((1, CW, D), lambda i, c: (c, 0, 0)),
            pl.BlockSpec((D, D), lambda i, c: (0, 0)),
            pl.BlockSpec((D, D), lambda i, c: (0, 0)),
            pl.BlockSpec((1, D), lambda i, c: (0, 0)),
            pl.BlockSpec((1, D), lambda i, c: (0, 0)),
        ],
        out_specs=[
            pl.BlockSpec((BR, D), lambda i, c: (i, 0)),
            pl.BlockSpec((8, D), lambda i, c: (0, 0)),
        ],
        out_shape=[
            jax.ShapeDtypeStruct((NA, D), jnp.float32),
            jax.ShapeDtypeStruct((8, D), jnp.float32),
        ],
    )(agg, x, wl4, wrot_t, wres_t, b1, b2)


def _bn_body(pre_ref, st_ref, g_ref, b_ref, out_ref):
    mean = st_ref[0:1, :] * (1.0 / NA)
    var = st_ref[1:2, :] * (1.0 / NA) - mean * mean
    inv = lax.rsqrt(var + 1e-5)
    out_ref[...] = (pre_ref[...] - mean) * inv * g_ref[...] + b_ref[...]


def _bn(pre, stats, gamma, beta):
    return pl.pallas_call(
        _bn_body,
        grid=(RB,),
        in_specs=[
            pl.BlockSpec((BR, D), lambda i: (i, 0)),
            pl.BlockSpec((8, D), lambda i: (0, 0)),
            pl.BlockSpec((1, D), lambda i: (0, 0)),
            pl.BlockSpec((1, D), lambda i: (0, 0)),
        ],
        out_specs=pl.BlockSpec((BR, D), lambda i: (i, 0)),
        out_shape=jax.ShapeDtypeStruct((NA, D), jnp.float32),
    )(pre, stats, gamma, beta)


def _prep_edges(ei):
    src = ei[0].astype(jnp.int32)
    dst = ei[1].astype(jnp.int32)
    pad = EPAD - E
    src = jnp.concatenate([src, jnp.zeros((pad,), jnp.int32)])
    dst = jnp.concatenate([dst, jnp.full((pad,), TRASH, jnp.int32)])
    offs = (jnp.arange(NCH, dtype=jnp.int32) * NA)[:, None]
    src_idx = (src[None, :] + offs).reshape(NCH, NW, NSUB, SUB)
    dst_idx = dst.reshape(NW, NSUB, SUB)
    return src_idx, dst_idx


def _chunked(x):
    return x.reshape(NA, NCH, CW).transpose(1, 0, 2).reshape(NCH * NA, CW)


def kernel(x_a, x_b, edge_index_ab, edge_index_ba,
           W_lin_a, b_lin_a, W_rot_a, b_rot_a,
           W_lin_b, b_lin_b, W_rot_b, b_rot_b,
           W_res, b_res, gamma1, beta1, gamma2, beta2):
    zeros = jnp.zeros((RPT, CW), jnp.float32)
    src_ab, dst_ab = _prep_edges(edge_index_ab)
    src_ba, dst_ba = _prep_edges(edge_index_ba)

    aggb_raw = _sc_aggregate(_chunked(x_a), src_ab, dst_ab, zeros)
    agga_raw = _sc_aggregate(_chunked(x_b), src_ba, dst_ba, zeros)
    aggb = aggb_raw.reshape(NCH, NC, NPAD, CW)[:, :, :NA, :]
    agga = agga_raw.reshape(NCH, NC, NPAD, CW)[:, :, :NA, :]

    wres_t = W_res.T
    bres = b_res.reshape(1, D)
    pre_a, st_a = _dense(agga, x_a, W_lin_b.T.reshape(NCH, CW, D), W_rot_b.T,
                         wres_t, (b_lin_b + b_rot_b).reshape(1, D), bres)
    pre_b, st_b = _dense(aggb, x_b, W_lin_a.T.reshape(NCH, CW, D), W_rot_a.T,
                         wres_t, (b_lin_a + b_rot_a).reshape(1, D), bres)

    out_a = _bn(pre_a, st_a, gamma1.reshape(1, D), beta1.reshape(1, D))
    out_b = _bn(pre_b, st_b, gamma2.reshape(1, D), beta2.reshape(1, D))
    return (out_a, out_b)

# --- scband reference (transcript-rebuilt; emitter-appended) ---
"""Pipeline reference for scband-dgl-hetero-gcnlayer-39625368273436 (READ-ONLY COPY).

The authoritative reference and input builder live on the scoring server;
editing this copy changes nothing except your own understanding.
"""

import jax, jax.numpy as jnp
import numpy as np

NA = 10000
NB = 10000
EA = 80000
EB = 80000
D = 512


def setup_inputs(seed: int = 0) -> dict:
    key = jax.random.key(seed)
    ks = jax.random.split(key, 20)
    x_a = jax.random.normal(ks[0], (NA, D), dtype=jnp.float32)
    x_b = jax.random.normal(ks[1], (NB, D), dtype=jnp.float32)
    edge_index_ab = jax.random.randint(ks[2], (2, EA), 0, NA, dtype=jnp.int64)  # rel_a: A -> B
    edge_index_ba = jax.random.randint(ks[3], (2, EB), 0, NB, dtype=jnp.int64)  # rel_b: B -> A
    s = 0.02
    W_lin_a = jax.random.normal(ks[4], (D, D), jnp.float32) * s
    b_lin_a = jnp.zeros((D,), jnp.float32)
    W_rot_a = jax.random.normal(ks[5], (D, D), jnp.float32) * s
    b_rot_a = jnp.zeros((D,), jnp.float32)
    W_lin_b = jax.random.normal(ks[6], (D, D), jnp.float32) * s
    b_lin_b = jnp.zeros((D,), jnp.float32)
    W_rot_b = jax.random.normal(ks[7], (D, D), jnp.float32) * s
    b_rot_b = jnp.zeros((D,), jnp.float32)
    W_res = jax.random.normal(ks[8], (D, D), jnp.float32) * s
    b_res = jnp.zeros((D,), jnp.float32)
    gamma1 = jnp.ones((D,), jnp.float32)
    beta1 = jnp.zeros((D,), jnp.float32)
    gamma2 = jnp.ones((D,), jnp.float32)
    beta2 = jnp.zeros((D,), jnp.float32)
    return {
        "x_a": x_a, "x_b": x_b,
        "edge_index_ab": edge_index_ab, "edge_index_ba": edge_index_ba,
        "W_lin_a": W_lin_a, "b_lin_a": b_lin_a, "W_rot_a": W_rot_a, "b_rot_a": b_rot_a,
        "W_lin_b": W_lin_b, "b_lin_b": b_lin_b, "W_rot_b": W_rot_b, "b_rot_b": b_rot_b,
        "W_res": W_res, "b_res": b_res,
        "gamma1": gamma1, "beta1": beta1, "gamma2": gamma2, "beta2": beta2,
    }


def _graph_conv(x_src, x_dst, src, dst, n_dst, W_lin, b_lin, W_rot, b_rot):
    # dgl_GraphConv.forward: copy_src + sum aggregation, then lin(agg) + rot(feat_dst), relu
    msgs = x_src[src]                                    # gather over edges
    agg = jax.ops.segment_sum(msgs, dst, num_segments=n_dst)  # scatter-add to dst nodes
    rst = agg @ W_lin.T + b_lin
    rst = rst + (x_dst @ W_rot.T + b_rot)
    return jax.nn.relu(rst)


def _batchnorm(v, gamma, beta, eps=1e-5):
    mean = jnp.mean(v, axis=0)
    var = jnp.var(v, axis=0)
    return (v - mean) / jnp.sqrt(var + eps) * gamma + beta


def reference(x_a, x_b, edge_index_ab, edge_index_ba,
              W_lin_a, b_lin_a, W_rot_a, b_rot_a,
              W_lin_b, b_lin_b, W_rot_b, b_rot_b,
              W_res, b_res, gamma1, beta1, gamma2, beta2):
    # HeteroGraphConv with aggregate='sum': one relation per dst ntype here
    out_b = _graph_conv(x_a, x_b, edge_index_ab[0], edge_index_ab[1], NB,
                        W_lin_a, b_lin_a, W_rot_a, b_rot_a)
    out_a = _graph_conv(x_b, x_a, edge_index_ba[0], edge_index_ba[1], NA,
                        W_lin_b, b_lin_b, W_rot_b, b_rot_b)
    # residual: activation(res_connection(feats)) added per ntype (shared linear)
    out_a = out_a + jax.nn.relu(x_a @ W_res.T + b_res)
    out_b = out_b + jax.nn.relu(x_b @ W_res.T + b_res)
    # dropout: eval mode -> identity
    # batchnorm: bn_layer_1 on first ntype, bn_layer_2 on second (training-mode batch stats)
    out_a = _batchnorm(out_a, gamma1, beta1)
    out_b = _batchnorm(out_b, gamma2, beta2)
    return (out_a, out_b)

if __name__ == "__main__":
    import jax
    _d = setup_inputs()
    print(jax.jit(kernel)(*tuple(_d.values())))

</pallas_src>

<mosaic_0001>
#map = affine_map<(d0, d1) -> (0, 0)>
#map1 = affine_map<(d0, d1) -> (0, 0, 0, 0)>
#map2 = affine_map<(d0, d1) -> (0, 0, 0)>
module attributes {stable_mosaic.version = 14 : i64} {
  func.func @k(%arg0: i32, %arg1: i32, %arg2: memref<40000x128xf32, #tpu.memory_space<hbm>>, %arg3: memref<4x32x20x128xi32, #tpu.memory_space<hbm>>, %arg4: memref<32x20x128xi32, #tpu.memory_space<hbm>>, %arg5: memref<640x128xf32, #tpu.memory_space<hbm>>, %arg6: memref<81920x128xf32, #tpu.memory_space<hbm>>, %arg7: memref<20x128xi32, #tpu.memory_space<vmem>>, %arg8: memref<20x128xi32, #tpu.memory_space<vmem>>, %arg9: memref<128x128xf32, #tpu.memory_space<vmem>>, %arg10: memref<10240x128xf32, #tpu.memory_space<vmem_shared>>) attributes {dimension_semantics = [#tpu.dimension_semantics<core_parallel>, #tpu.dimension_semantics<subcore_parallel>], iteration_bounds = array<i64: 2, 16>, scalar_prefetch = 0 : i64, scratch_operands = 4 : i64, tpu.core_type = #tpu.core_type<sc_vector_subcore>, window_params = [{transform_indices = #map}, {transform_indices = #map1}, {transform_indices = #map2}, {transform_indices = #map}, {transform_indices = #map}]} {
    %mul3A = arith.constant 16 : i32
    %mul3A_0 = arith.muli %arg0, %mul3A : i32
    %add3A = arith.addi %mul3A_0, %arg1 : i32
    %mul3A_1 = arith.constant 640 : i32
    %mul3A_2 = arith.muli %arg1, %mul3A_1 : i32
    "tpu.region"() ({
      %run_scoped3A_56 = tpu.sem_alloc : memref<!tpu.dma_semaphore, #tpu.memory_space<semaphore_mem>>
      %dma_start3A = arith.constant 0 : i32
      %dma_start3A_57 = arith.constant 0 : i32
      %dma_start3A_58 = tpu.memref_slice %arg4[%add3A, %dma_start3A, %dma_start3A_57] : memref<32x20x128xi32, #tpu.memory_space<hbm>> -> memref<1x20x128xi32, #tpu.memory_space<hbm>>
      %dma_start3A_59 = tpu.memref_squeeze %dma_start3A_58 : memref<1x20x128xi32, #tpu.memory_space<hbm>> -> memref<20x128xi32, #tpu.memory_space<hbm>>
      %dma_start3A_60 = arith.constant 0 : i32
      %dma_start3A_61 = arith.constant 0 : i32
      %dma_start3A_62 = tpu.memref_slice %arg4[%add3A, %dma_start3A_60, %dma_start3A_61] : memref<32x20x128xi32, #tpu.memory_space<hbm>> -> memref<1x20x128xi32, #tpu.memory_space<hbm>>
      %dma_start3A_63 = tpu.memref_squeeze %dma_start3A_62 : memref<1x20x128xi32, #tpu.memory_space<hbm>> -> memref<20x128xi32, #tpu.memory_space<hbm>>
      tpu.enqueue_dma source(%dma_start3A_63 : memref<20x128xi32, #tpu.memory_space<hbm>>) target(%arg8 : memref<20x128xi32, #tpu.memory_space<vmem>>) target_semaphore(%run_scoped3A_56 : memref<!tpu.dma_semaphore, #tpu.memory_space<semaphore_mem>>)
      %dma_wait3A = arith.constant 0 : i32
      %dma_wait3A_64 = arith.constant 0 : i32
      %dma_wait3A_65 = tpu.memref_slice %arg4[%add3A, %dma_wait3A, %dma_wait3A_64] : memref<32x20x128xi32, #tpu.memory_space<hbm>> -> memref<1x20x128xi32, #tpu.memory_space<hbm>>
      %dma_wait3A_66 = tpu.memref_squeeze %dma_wait3A_65 : memref<1x20x128xi32, #tpu.memory_space<hbm>> -> memref<20x128xi32, #tpu.memory_space<hbm>>
      %dma_wait3A_67 = arith.constant 0 : i32
      %dma_wait3A_68 = arith.constant 0 : i32
      %dma_wait3A_69 = tpu.memref_slice %arg4[%add3A, %dma_wait3A_67, %dma_wait3A_68] : memref<32x20x128xi32, #tpu.memory_space<hbm>> -> memref<1x20x128xi32, #tpu.memory_space<hbm>>
      %dma_wait3A_70 = tpu.memref_squeeze %dma_wait3A_69 : memref<1x20x128xi32, #tpu.memory_space<hbm>> -> memref<20x128xi32, #tpu.memory_space<hbm>>
      tpu.wait_dma2 semaphore(%run_scoped3A_56 : memref<!tpu.dma_semaphore, #tpu.memory_space<semaphore_mem>>) src(%dma_wait3A_70 : memref<20x128xi32, #tpu.memory_space<hbm>>) dst(%arg8 : memref<20x128xi32, #tpu.memory_space<vmem>>)
      tpu.yield
    }) : () -> ()
    "tpu.region"() ({
      %run_scoped3A_56 = tpu.sem_alloc : memref<!tpu.dma_semaphore, #tpu.memory_space<semaphore_mem>>
      %dma_start3A = arith.constant 0 : i32
      %dma_start3A_57 = tpu.memref_slice %arg10[%mul3A_2, %dma_start3A] : memref<10240x128xf32, #tpu.memory_space<vmem_shared>> -> memref<640x128xf32, #tpu.memory_space<vmem_shared>>
      tpu.enqueue_dma source(%arg5 : memref<640x128xf32, #tpu.memory_space<hbm>>) target(%dma_start3A_57 : memref<640x128xf32, #tpu.memory_space<vmem_shared>>) target_semaphore(%run_scoped3A_56 : memref<!tpu.dma_semaphore, #tpu.memory_space<semaphore_mem>>)
      %dma_wait3A = arith.constant 0 : i32
      %dma_wait3A_58 = tpu.memref_slice %arg10[%mul3A_2, %dma_wait3A] : memref<10240x128xf32, #tpu.memory_space<vmem_shared>> -> memref<640x128xf32, #tpu.memory_space<vmem_shared>>
      tpu.wait_dma2 semaphore(%run_scoped3A_56 : memref<!tpu.dma_semaphore, #tpu.memory_space<semaphore_mem>>) src(%arg5 : memref<640x128xf32, #tpu.memory_space<hbm>>) dst(%dma_wait3A_58 : memref<640x128xf32, #tpu.memory_space<vmem_shared>>)
      tpu.yield
    }) : () -> ()
    %run_scoped3A = arith.constant 0 : i32
    "tpu.region"() ({
      %run_scoped3A_56 = tpu.sem_alloc : memref<!tpu.dma_semaphore, #tpu.memory_space<semaphore_mem>>
      %dma_start3A = arith.constant 0 : i32
      %dma_start3A_57 = arith.constant 0 : i32
      %dma_start3A_58 = tpu.memref_slice %arg3[%run_scoped3A, %add3A, %dma_start3A, %dma_start3A_57] : memref<4x32x20x128xi32, #tpu.memory_space<hbm>> -> memref<1x1x20x128xi32, #tpu.memory_space<hbm>>
      %dma_start3A_59 = tpu.memref_squeeze %dma_start3A_58 : memref<1x1x20x128xi32, #tpu.memory_space<hbm>> -> memref<20x128xi32, #tpu.memory_space<hbm>>
      %dma_start3A_60 = arith.constant 0 : i32
      %dma_start3A_61 = arith.constant 0 : i32
      %dma_start3A_62 = tpu.memref_slice %arg3[%run_scoped3A, %add3A, %dma_start3A_60, %dma_start3A_61] : memref<4x32x20x128xi32, #tpu.memory_space<hbm>> -> memref<1x1x20x128xi32, #tpu.memory_space<hbm>>
      %dma_start3A_63 = tpu.memref_squeeze %dma_start3A_62 : memref<1x1x20x128xi32, #tpu.memory_space<hbm>> -> memref<20x128xi32, #tpu.memory_space<hbm>>
      tpu.enqueue_dma source(%dma_start3A_63 : memref<20x128xi32, #tpu.memory_space<hbm>>) target(%arg7 : memref<20x128xi32, #tpu.memory_space<vmem>>) target_semaphore(%run_scoped3A_56 : memref<!tpu.dma_semaphore, #tpu.memory_space<semaphore_mem>>)
      %dma_wait3A = arith.constant 0 : i32
      %dma_wait3A_64 = arith.constant 0 : i32
      %dma_wait3A_65 = tpu.memref_slice %arg3[%run_scoped3A, %add3A, %dma_wait3A, %dma_wait3A_64] : memref<4x32x20x128xi32, #tpu.memory_space<hbm>> -> memref<1x1x20x128xi32, #tpu.memory_space<hbm>>
      %dma_wait3A_66 = tpu.memref_squeeze %dma_wait3A_65 : memref<1x1x20x128xi32, #tpu.memory_space<hbm>> -> memref<20x128xi32, #tpu.memory_space<hbm>>
      %dma_wait3A_67 = arith.constant 0 : i32
      %dma_wait3A_68 = arith.constant 0 : i32
      %dma_wait3A_69 = tpu.memref_slice %arg3[%run_scoped3A, %add3A, %dma_wait3A_67, %dma_wait3A_68] : memref<4x32x20x128xi32, #tpu.memory_space<hbm>> -> memref<1x1x20x128xi32, #tpu.memory_space<hbm>>
      %dma_wait3A_70 = tpu.memref_squeeze %dma_wait3A_69 : memref<1x1x20x128xi32, #tpu.memory_space<hbm>> -> memref<20x128xi32, #tpu.memory_space<hbm>>
      tpu.wait_dma2 semaphore(%run_scoped3A_56 : memref<!tpu.dma_semaphore, #tpu.memory_space<semaphore_mem>>) src(%dma_wait3A_70 : memref<20x128xi32, #tpu.memory_space<hbm>>) dst(%arg7 : memref<20x128xi32, #tpu.memory_space<vmem>>)
      tpu.yield
    }) : () -> ()
    %barrier3A = arith.constant 0 : index
    tpu.barrier barrier_id(%barrier3A)
    %scan3A = arith.constant 0 : i32
    %scan3A_3 = arith.constant 0 : i32
    %scan3A_4 = arith.constant 20 : i32
    %scan3A_5 = arith.addi %scan3A_3, %scan3A_4 : i32
    %scan3A_6 = arith.constant 1 : i32
    scf.for %scan3A_56 = %scan3A_3 to %scan3A_5 step %scan3A_6  : i32 {
      "tpu.region"() ({
        %run_scoped3A_57 = tpu.sem_alloc : memref<!tpu.dma_semaphore, #tpu.memory_space<semaphore_mem>>
        %dma_start3A = arith.constant 0 : i32
        %dma_start3A_58 = tpu.memref_slice %arg7[%scan3A_56, %dma_start3A] : memref<20x128xi32, #tpu.memory_space<vmem>> -> memref<1x128xi32, #tpu.memory_space<vmem>>
        %dma_start3A_59 = tpu.memref_squeeze %dma_start3A_58 : memref<1x128xi32, #tpu.memory_space<vmem>> -> memref<128xi32, #tpu.memory_space<vmem>>
        %dma_start3A_60 = arith.constant 0 : i32
        %dma_start3A_61 = arith.constant 0 : i32
        %dma_start3A_62 = tpu.memref_slice %arg2[%dma_start3A_60, %dma_start3A_61] : memref<40000x128xf32, #tpu.memory_space<hbm>> -> memref<40000x128xf32, #tpu.memory_space<hbm>>
        tpu.enqueue_indirect_dma source(%dma_start3A_62 : memref<40000x128xf32, #tpu.memory_space<hbm>>) target(%arg9 : memref<128x128xf32, #tpu.memory_space<vmem>>) offsets(%dma_start3A_59 : memref<128xi32, #tpu.memory_space<vmem>>) semaphore(%run_scoped3A_57 : memref<!tpu.dma_semaphore, #tpu.memory_space<semaphore_mem>>)
        %dma_wait3A = arith.constant 0 : i32
        %dma_wait3A_63 = tpu.memref_slice %arg7[%scan3A_56, %dma_wait3A] : memref<20x128xi32, #tpu.memory_space<vmem>> -> memref<1x128xi32, #tpu.memory_space<vmem>>
        %dma_wait3A_64 = tpu.memref_squeeze %dma_wait3A_63 : memref<1x128xi32, #tpu.memory_space<vmem>> -> memref<128xi32, #tpu.memory_space<vmem>>
        %dma_wait3A_65 = arith.constant 0 : i32
        %dma_wait3A_66 = arith.constant 0 : i32
        %dma_wait3A_67 = tpu.memref_slice %arg2[%dma_wait3A_65, %dma_wait3A_66] : memref<40000x128xf32, #tpu.memory_space<hbm>> -> memref<40000x128xf32, #tpu.memory_space<hbm>>
        tpu.wait_indirect_dma semaphore(%run_scoped3A_57 : memref<!tpu.dma_semaphore, #tpu.memory_space<semaphore_mem>>) src(%dma_wait3A_67 : memref<40000x128xf32, #tpu.memory_space<hbm>>) dst(%arg9 : memref<128x128xf32, #tpu.memory_space<vmem>>)
        tpu.yield
      }) : () -> ()
      "tpu.region"() ({
        %run_scoped3A_57 = tpu.sem_alloc : memref<!tpu.dma_semaphore, #tpu.memory_space<semaphore_mem>>
        %dma_start3A = arith.constant 0 : i32
        %dma_start3A_58 = tpu.memref_slice %arg8[%scan3A_56, %dma_start3A] : memref<20x128xi32, #tpu.memory_space<vmem>> -> memref<1x128xi32, #tpu.memory_space<vmem>>
        %dma_start3A_59 = tpu.memref_squeeze %dma_start3A_58 : memref<1x128xi32, #tpu.memory_space<vmem>> -> memref<128xi32, #tpu.memory_space<vmem>>
        %dma_start3A_60 = arith.constant 0 : i32
        %dma_start3A_61 = arith.constant 0 : i32
        %dma_start3A_62 = tpu.memref_slice %arg10[%dma_start3A_60, %dma_start3A_61] : memref<10240x128xf32, #tpu.memory_space<vmem_shared>> -> memref<10240x128xf32, #tpu.memory_space<vmem_shared>>
        tpu.enqueue_indirect_dma source(%arg9 : memref<128x128xf32, #tpu.memory_space<vmem>>) target(%dma_start3A_62 : memref<10240x128xf32, #tpu.memory_space<vmem_shared>>) offsets(%dma_start3A_59 : memref<128xi32, #tpu.memory_space<vmem>>) semaphore(%run_scoped3A_57 : memref<!tpu.dma_semaphore, #tpu.memory_space<semaphore_mem>>) {add = true}
        %dma_wait3A = arith.constant 0 : i32
        %dma_wait3A_63 = tpu.memref_slice %arg8[%scan3A_56, %dma_wait3A] : memref<20x128xi32, #tpu.memory_space<vmem>> -> memref<1x128xi32, #tpu.memory_space<vmem>>
        %dma_wait3A_64 = tpu.memref_squeeze %dma_wait3A_63 : memref<1x128xi32, #tpu.memory_space<vmem>> -> memref<128xi32, #tpu.memory_space<vmem>>
        %dma_wait3A_65 = arith.constant 0 : i32
        %dma_wait3A_66 = arith.constant 0 : i32
        %dma_wait3A_67 = tpu.memref_slice %arg10[%dma_wait3A_65, %dma_wait3A_66] : memref<10240x128xf32, #tpu.memory_space<vmem_shared>> -> memref<10240x128xf32, #tpu.memory_space<vmem_shared>>
        tpu.wait_indirect_dma semaphore(%run_scoped3A_57 : memref<!tpu.dma_semaphore, #tpu.memory_space<semaphore_mem>>) src(%arg9 : memref<128x128xf32, #tpu.memory_space<vmem>>) dst(%dma_wait3A_67 : memref<10240x128xf32, #tpu.memory_space<vmem_shared>>)
        tpu.yield
      }) : () -> ()
    }
    %scan3A_7 = arith.constant 20 : i32
    %barrier3A_8 = arith.constant 0 : index
    tpu.barrier barrier_id(%barrier3A_8)
    %add3A_9 = arith.constant 0 : i32
    %add3A_10 = arith.addi %add3A_9, %arg0 : i32
    %mul3A_11 = arith.constant 10240 : i32
    %mul3A_12 = arith.muli %add3A_10, %mul3A_11 : i32
    %add3A_13 = arith.addi %mul3A_12, %mul3A_2 : i32
    "tpu.region"() ({
      %run_scoped3A_56 = tpu.sem_alloc : memref<!tpu.dma_semaphore, #tpu.memory_space<semaphore_mem>>
      %dma_start3A = arith.constant 0 : i32
      %dma_start3A_57 = tpu.memref_slice %arg6[%add3A_13, %dma_start3A] : memref<81920x128xf32, #tpu.memory_space<hbm>> -> memref<640x128xf32, #tpu.memory_space<hbm>>
      %dma_start3A_58 = arith.constant 0 : i32
      %dma_start3A_59 = tpu.memref_slice %arg10[%mul3A_2, %dma_start3A_58] : memref<10240x128xf32, #tpu.memory_space<vmem_shared>> -> memref<640x128xf32, #tpu.memory_space<vmem_shared>>
      tpu.enqueue_dma source(%dma_start3A_59 : memref<640x128xf32, #tpu.memory_space<vmem_shared>>) target(%dma_start3A_57 : memref<640x128xf32, #tpu.memory_space<hbm>>) target_semaphore(%run_scoped3A_56 : memref<!tpu.dma_semaphore, #tpu.memory_space<semaphore_mem>>)
      %dma_wait3A = arith.constant 0 : i32
      %dma_wait3A_60 = tpu.memref_slice %arg6[%add3A_13, %dma_wait3A] : memref<81920x128xf32, #tpu.memory_space<hbm>> -> memref<640x128xf32, #tpu.memory_space<hbm>>
      %dma_wait3A_61 = arith.constant 0 : i32
      %dma_wait3A_62 = tpu.memref_slice %arg10[%mul3A_2, %dma_wait3A_61] : memref<10240x128xf32, #tpu.memory_space<vmem_shared>> -> memref<640x128xf32, #tpu.memory_space<vmem_shared>>
      tpu.wait_dma2 semaphore(%run_scoped3A_56 : memref<!tpu.dma_semaphore, #tpu.memory_space<semaphore_mem>>) src(%dma_wait3A_62 : memref<640x128xf32, #tpu.memory_space<vmem_shared>>) dst(%dma_wait3A_60 : memref<640x128xf32, #tpu.memory_space<hbm>>)
      tpu.yield
    }) : () -> ()
    "tpu.region"() ({
      %run_scoped3A_56 = tpu.sem_alloc : memref<!tpu.dma_semaphore, #tpu.memory_space<semaphore_mem>>
      %dma_start3A = arith.constant 0 : i32
      %dma_start3A_57 = tpu.memref_slice %arg10[%mul3A_2, %dma_start3A] : memref<10240x128xf32, #tpu.memory_space<vmem_shared>> -> memref<640x128xf32, #tpu.memory_space<vmem_shared>>
      tpu.enqueue_dma source(%arg5 : memref<640x128xf32, #tpu.memory_space<hbm>>) target(%dma_start3A_57 : memref<640x128xf32, #tpu.memory_space<vmem_shared>>) target_semaphore(%run_scoped3A_56 : memref<!tpu.dma_semaphore, #tpu.memory_space<semaphore_mem>>)
      %dma_wait3A = arith.constant 0 : i32
      %dma_wait3A_58 = tpu.memref_slice %arg10[%mul3A_2, %dma_wait3A] : memref<10240x128xf32, #tpu.memory_space<vmem_shared>> -> memref<640x128xf32, #tpu.memory_space<vmem_shared>>
      tpu.wait_dma2 semaphore(%run_scoped3A_56 : memref<!tpu.dma_semaphore, #tpu.memory_space<semaphore_mem>>) src(%arg5 : memref<640x128xf32, #tpu.memory_space<hbm>>) dst(%dma_wait3A_58 : memref<640x128xf32, #tpu.memory_space<vmem_shared>>)
      tpu.yield
    }) : () -> ()
    %run_scoped3A_14 = arith.constant 1 : i32
    "tpu.region"() ({
      %run_scoped3A_56 = tpu.sem_alloc : memref<!tpu.dma_semaphore, #tpu.memory_space<semaphore_mem>>
      %dma_start3A = arith.constant 0 : i32
      %dma_start3A_57 = arith.constant 0 : i32
      %dma_start3A_58 = tpu.memref_slice %arg3[%run_scoped3A_14, %add3A, %dma_start3A, %dma_start3A_57] : memref<4x32x20x128xi32, #tpu.memory_space<hbm>> -> memref<1x1x20x128xi32, #tpu.memory_space<hbm>>
      %dma_start3A_59 = tpu.memref_squeeze %dma_start3A_58 : memref<1x1x20x128xi32, #tpu.memory_space<hbm>> -> memref<20x128xi32, #tpu.memory_space<hbm>>
      %dma_start3A_60 = arith.constant 0 : i32
      %dma_start3A_61 = arith.constant 0 : i32
      %dma_start3A_62 = tpu.memref_slice %arg3[%run_scoped3A_14, %add3A, %dma_start3A_60, %dma_start3A_61] : memref<4x32x20x128xi32, #tpu.memory_space<hbm>> -> memref<1x1x20x128xi32, #tpu.memory_space<hbm>>
      %dma_start3A_63 = tpu.memref_squeeze %dma_start3A_62 : memref<1x1x20x128xi32, #tpu.memory_space<hbm>> -> memref<20x128xi32, #tpu.memory_space<hbm>>
      tpu.enqueue_dma source(%dma_start3A_63 : memref<20x128xi32, #tpu.memory_space<hbm>>) target(%arg7 : memref<20x128xi32, #tpu.memory_space<vmem>>) target_semaphore(%run_scoped3A_56 : memref<!tpu.dma_semaphore, #tpu.memory_space<semaphore_mem>>)
      %dma_wait3A = arith.constant 0 : i32
      %dma_wait3A_64 = arith.constant 0 : i32
      %dma_wait3A_65 = tpu.memref_slice %arg3[%run_scoped3A_14, %add3A, %dma_wait3A, %dma_wait3A_64] : memref<4x32x20x128xi32, #tpu.memory_space<hbm>> -> memref<1x1x20x128xi32, #tpu.memory_space<hbm>>
      %dma_wait3A_66 = tpu.memref_squeeze %dma_wait3A_65 : memref<1x1x20x128xi32, #tpu.memory_space<hbm>> -> memref<20x128xi32, #tpu.memory_space<hbm>>
      %dma_wait3A_67 = arith.constant 0 : i32
      %dma_wait3A_68 = arith.constant 0 : i32
      %dma_wait3A_69 = tpu.memref_slice %arg3[%run_scoped3A_14, %add3A, %dma_wait3A_67, %dma_wait3A_68] : memref<4x32x20x128xi32, #tpu.memory_space<hbm>> -> memref<1x1x20x128xi32, #tpu.memory_space<hbm>>
      %dma_wait3A_70 = tpu.memref_squeeze %dma_wait3A_69 : memref<1x1x20x128xi32, #tpu.memory_space<hbm>> -> memref<20x128xi32, #tpu.memory_space<hbm>>
      tpu.wait_dma2 semaphore(%run_scoped3A_56 : memref<!tpu.dma_semaphore, #tpu.memory_space<semaphore_mem>>) src(%dma_wait3A_70 : memref<20x128xi32, #tpu.memory_space<hbm>>) dst(%arg7 : memref<20x128xi32, #tpu.memory_space<vmem>>)
      tpu.yield
    }) : () -> ()
    %barrier3A_15 = arith.constant 0 : index
    tpu.barrier barrier_id(%barrier3A_15)
    %scan3A_16 = arith.constant 0 : i32
    %scan3A_17 = arith.constant 0 : i32
    %scan3A_18 = arith.constant 20 : i32
    %scan3A_19 = arith.addi %scan3A_17, %scan3A_18 : i32
    %scan3A_20 = arith.constant 1 : i32
    scf.for %scan3A_56 = %scan3A_17 to %scan3A_19 step %scan3A_20  : i32 {
      "tpu.region"() ({
        %run_scoped3A_57 = tpu.sem_alloc : memref<!tpu.dma_semaphore, #tpu.memory_space<semaphore_mem>>
        %dma_start3A = arith.constant 0 : i32
        %dma_start3A_58 = tpu.memref_slice %arg7[%scan3A_56, %dma_start3A] : memref<20x128xi32, #tpu.memory_space<vmem>> -> memref<1x128xi32, #tpu.memory_space<vmem>>
        %dma_start3A_59 = tpu.memref_squeeze %dma_start3A_58 : memref<1x128xi32, #tpu.memory_space<vmem>> -> memref<128xi32, #tpu.memory_space<vmem>>
        %dma_start3A_60 = arith.constant 0 : i32
        %dma_start3A_61 = arith.constant 0 : i32
        %dma_start3A_62 = tpu.memref_slice %arg2[%dma_start3A_60, %dma_start3A_61] : memref<40000x128xf32, #tpu.memory_space<hbm>> -> memref<40000x128xf32, #tpu.memory_space<hbm>>
        tpu.enqueue_indirect_dma source(%dma_start3A_62 : memref<40000x128xf32, #tpu.memory_space<hbm>>) target(%arg9 : memref<128x128xf32, #tpu.memory_space<vmem>>) offsets(%dma_start3A_59 : memref<128xi32, #tpu.memory_space<vmem>>) semaphore(%run_scoped3A_57 : memref<!tpu.dma_semaphore, #tpu.memory_space<semaphore_mem>>)
        %dma_wait3A = arith.constant 0 : i32
        %dma_wait3A_63 = tpu.memref_slice %arg7[%scan3A_56, %dma_wait3A] : memref<20x128xi32, #tpu.memory_space<vmem>> -> memref<1x128xi32, #tpu.memory_space<vmem>>
        %dma_wait3A_64 = tpu.memref_squeeze %dma_wait3A_63 : memref<1x128xi32, #tpu.memory_space<vmem>> -> memref<128xi32, #tpu.memory_space<vmem>>
        %dma_wait3A_65 = arith.constant 0 : i32
        %dma_wait3A_66 = arith.constant 0 : i32
        %dma_wait3A_67 = tpu.memref_slice %arg2[%dma_wait3A_65, %dma_wait3A_66] : memref<40000x128xf32, #tpu.memory_space<hbm>> -> memref<40000x128xf32, #tpu.memory_space<hbm>>
        tpu.wait_indirect_dma semaphore(%run_scoped3A_57 : memref<!tpu.dma_semaphore, #tpu.memory_space<semaphore_mem>>) src(%dma_wait3A_67 : memref<40000x128xf32, #tpu.memory_space<hbm>>) dst(%arg9 : memref<128x128xf32, #tpu.memory_space<vmem>>)
        tpu.yield
      }) : () -> ()
      "tpu.region"() ({
        %run_scoped3A_57 = tpu.sem_alloc : memref<!tpu.dma_semaphore, #tpu.memory_space<semaphore_mem>>
        %dma_start3A = arith.constant 0 : i32
        %dma_start3A_58 = tpu.memref_slice %arg8[%scan3A_56, %dma_start3A] : memref<20x128xi32, #tpu.memory_space<vmem>> -> memref<1x128xi32, #tpu.memory_space<vmem>>
        %dma_start3A_59 = tpu.memref_squeeze %dma_start3A_58 : memref<1x128xi32, #tpu.memory_space<vmem>> -> memref<128xi32, #tpu.memory_space<vmem>>
        %dma_start3A_60 = arith.constant 0 : i32
        %dma_start3A_61 = arith.constant 0 : i32
        %dma_start3A_62 = tpu.memref_slice %arg10[%dma_start3A_60, %dma_start3A_61] : memref<10240x128xf32, #tpu.memory_space<vmem_shared>> -> memref<10240x128xf32, #tpu.memory_space<vmem_shared>>
        tpu.enqueue_indirect_dma source(%arg9 : memref<128x128xf32, #tpu.memory_space<vmem>>) target(%dma_start3A_62 : memref<10240x128xf32, #tpu.memory_space<vmem_shared>>) offsets(%dma_start3A_59 : memref<128xi32, #tpu.memory_space<vmem>>) semaphore(%run_scoped3A_57 : memref<!tpu.dma_semaphore, #tpu.memory_space<semaphore_mem>>) {add = true}
        %dma_wait3A = arith.constant 0 : i32
        %dma_wait3A_63 = tpu.memref_slice %arg8[%scan3A_56, %dma_wait3A] : memref<20x128xi32, #tpu.memory_space<vmem>> -> memref<1x128xi32, #tpu.memory_space<vmem>>
        %dma_wait3A_64 = tpu.memref_squeeze %dma_wait3A_63 : memref<1x128xi32, #tpu.memory_space<vmem>> -> memref<128xi32, #tpu.memory_space<vmem>>
        %dma_wait3A_65 = arith.constant 0 : i32
        %dma_wait3A_66 = arith.constant 0 : i32
        %dma_wait3A_67 = tpu.memref_slice %arg10[%dma_wait3A_65, %dma_wait3A_66] : memref<10240x128xf32, #tpu.memory_space<vmem_shared>> -> memref<10240x128xf32, #tpu.memory_space<vmem_shared>>
        tpu.wait_indirect_dma semaphore(%run_scoped3A_57 : memref<!tpu.dma_semaphore, #tpu.memory_space<semaphore_mem>>) src(%arg9 : memref<128x128xf32, #tpu.memory_space<vmem>>) dst(%dma_wait3A_67 : memref<10240x128xf32, #tpu.memory_space<vmem_shared>>)
        tpu.yield
      }) : () -> ()
    }
    %scan3A_21 = arith.constant 20 : i32
    %barrier3A_22 = arith.constant 0 : index
    tpu.barrier barrier_id(%barrier3A_22)
    %add3A_23 = arith.constant 2 : i32
    %add3A_24 = arith.addi %add3A_23, %arg0 : i32
    %mul3A_25 = arith.constant 10240 : i32
    %mul3A_26 = arith.muli %add3A_24, %mul3A_25 : i32
    %add3A_27 = arith.addi %mul3A_26, %mul3A_2 : i32
    "tpu.region"() ({
      %run_scoped3A_56 = tpu.sem_alloc : memref<!tpu.dma_semaphore, #tpu.memory_space<semaphore_mem>>
      %dma_start3A = arith.constant 0 : i32
      %dma_start3A_57 = tpu.memref_slice %arg6[%add3A_27, %dma_start3A] : memref<81920x128xf32, #tpu.memory_space<hbm>> -> memref<640x128xf32, #tpu.memory_space<hbm>>
      %dma_start3A_58 = arith.constant 0 : i32
      %dma_start3A_59 = tpu.memref_slice %arg10[%mul3A_2, %dma_start3A_58] : memref<10240x128xf32, #tpu.memory_space<vmem_shared>> -> memref<640x128xf32, #tpu.memory_space<vmem_shared>>
      tpu.enqueue_dma source(%dma_start3A_59 : memref<640x128xf32, #tpu.memory_space<vmem_shared>>) target(%dma_start3A_57 : memref<640x128xf32, #tpu.memory_space<hbm>>) target_semaphore(%run_scoped3A_56 : memref<!tpu.dma_semaphore, #tpu.memory_space<semaphore_mem>>)
      %dma_wait3A = arith.constant 0 : i32
      %dma_wait3A_60 = tpu.memref_slice %arg6[%add3A_27, %dma_wait3A] : memref<81920x128xf32, #tpu.memory_space<hbm>> -> memref<640x128xf32, #tpu.memory_space<hbm>>
      %dma_wait3A_61 = arith.constant 0 : i32
      %dma_wait3A_62 = tpu.memref_slice %arg10[%mul3A_2, %dma_wait3A_61] : memref<10240x128xf32, #tpu.memory_space<vmem_shared>> -> memref<640x128xf32, #tpu.memory_space<vmem_shared>>
      tpu.wait_dma2 semaphore(%run_scoped3A_56 : memref<!tpu.dma_semaphore, #tpu.memory_space<semaphore_mem>>) src(%dma_wait3A_62 : memref<640x128xf32, #tpu.memory_space<vmem_shared>>) dst(%dma_wait3A_60 : memref<640x128xf32, #tpu.memory_space<hbm>>)
      tpu.yield
    }) : () -> ()
    "tpu.region"() ({
      %run_scoped3A_56 = tpu.sem_alloc : memref<!tpu.dma_semaphore, #tpu.memory_space<semaphore_mem>>
      %dma_start3A = arith.constant 0 : i32
      %dma_start3A_57 = tpu.memref_slice %arg10[%mul3A_2, %dma_start3A] : memref<10240x128xf32, #tpu.memory_space<vmem_shared>> -> memref<640x128xf32, #tpu.memory_space<vmem_shared>>
      tpu.enqueue_dma source(%arg5 : memref<640x128xf32, #tpu.memory_space<hbm>>) target(%dma_start3A_57 : memref<640x128xf32, #tpu.memory_space<vmem_shared>>) target_semaphore(%run_scoped3A_56 : memref<!tpu.dma_semaphore, #tpu.memory_space<semaphore_mem>>)
      %dma_wait3A = arith.constant 0 : i32
      %dma_wait3A_58 = tpu.memref_slice %arg10[%mul3A_2, %dma_wait3A] : memref<10240x128xf32, #tpu.memory_space<vmem_shared>> -> memref<640x128xf32, #tpu.memory_space<vmem_shared>>
      tpu.wait_dma2 semaphore(%run_scoped3A_56 : memref<!tpu.dma_semaphore, #tpu.memory_space<semaphore_mem>>) src(%arg5 : memref<640x128xf32, #tpu.memory_space<hbm>>) dst(%dma_wait3A_58 : memref<640x128xf32, #tpu.memory_space<vmem_shared>>)
      tpu.yield
    }) : () -> ()
    %run_scoped3A_28 = arith.constant 2 : i32
    "tpu.region"() ({
      %run_scoped3A_56 = tpu.sem_alloc : memref<!tpu.dma_semaphore, #tpu.memory_space<semaphore_mem>>
      %dma_start3A = arith.constant 0 : i32
      %dma_start3A_57 = arith.constant 0 : i32
      %dma_start3A_58 = tpu.memref_slice %arg3[%run_scoped3A_28, %add3A, %dma_start3A, %dma_start3A_57] : memref<4x32x20x128xi32, #tpu.memory_space<hbm>> -> memref<1x1x20x128xi32, #tpu.memory_space<hbm>>
      %dma_start3A_59 = tpu.memref_squeeze %dma_start3A_58 : memref<1x1x20x128xi32, #tpu.memory_space<hbm>> -> memref<20x128xi32, #tpu.memory_space<hbm>>
      %dma_start3A_60 = arith.constant 0 : i32
      %dma_start3A_61 = arith.constant 0 : i32
      %dma_start3A_62 = tpu.memref_slice %arg3[%run_scoped3A_28, %add3A, %dma_start3A_60, %dma_start3A_61] : memref<4x32x20x128xi32, #tpu.memory_space<hbm>> -> memref<1x1x20x128xi32, #tpu.memory_space<hbm>>
      %dma_start3A_63 = tpu.memref_squeeze %dma_start3A_62 : memref<1x1x20x128xi32, #tpu.memory_space<hbm>> -> memref<20x128xi32, #tpu.memory_space<hbm>>
      tpu.enqueue_dma source(%dma_start3A_63 : memref<20x128xi32, #tpu.memory_space<hbm>>) target(%arg7 : memref<20x128xi32, #tpu.memory_space<vmem>>) target_semaphore(%run_scoped3A_56 : memref<!tpu.dma_semaphore, #tpu.memory_space<semaphore_mem>>)
      %dma_wait3A = arith.constant 0 : i32
      %dma_wait3A_64 = arith.constant 0 : i32
      %dma_wait3A_65 = tpu.memref_slice %arg3[%run_scoped3A_28, %add3A, %dma_wait3A, %dma_wait3A_64] : memref<4x32x20x128xi32, #tpu.memory_space<hbm>> -> memref<1x1x20x128xi32, #tpu.memory_space<hbm>>
      %dma_wait3A_66 = tpu.memref_squeeze %dma_wait3A_65 : memref<1x1x20x128xi32, #tpu.memory_space<hbm>> -> memref<20x128xi32, #tpu.memory_space<hbm>>
      %dma_wait3A_67 = arith.constant 0 : i32
      %dma_wait3A_68 = arith.constant 0 : i32
      %dma_wait3A_69 = tpu.memref_slice %arg3[%run_scoped3A_28, %add3A, %dma_wait3A_67, %dma_wait3A_68] : memref<4x32x20x128xi32, #tpu.memory_space<hbm>> -> memref<1x1x20x128xi32, #tpu.memory_space<hbm>>
      %dma_wait3A_70 = tpu.memref_squeeze %dma_wait3A_69 : memref<1x1x20x128xi32, #tpu.memory_space<hbm>> -> memref<20x128xi32, #tpu.memory_space<hbm>>
      tpu.wait_dma2 semaphore(%run_scoped3A_56 : memref<!tpu.dma_semaphore, #tpu.memory_space<semaphore_mem>>) src(%dma_wait3A_70 : memref<20x128xi32, #tpu.memory_space<hbm>>) dst(%arg7 : memref<20x128xi32, #tpu.memory_space<vmem>>)
      tpu.yield
    }) : () -> ()
    %barrier3A_29 = arith.constant 0 : index
    tpu.barrier barrier_id(%barrier3A_29)
    %scan3A_30 = arith.constant 0 : i32
    %scan3A_31 = arith.constant 0 : i32
    %scan3A_32 = arith.constant 20 : i32
    %scan3A_33 = arith.addi %scan3A_31, %scan3A_32 : i32
    %scan3A_34 = arith.constant 1 : i32
    scf.for %scan3A_56 = %scan3A_31 to %scan3A_33 step %scan3A_34  : i32 {
      "tpu.region"() ({
        %run_scoped3A_57 = tpu.sem_alloc : memref<!tpu.dma_semaphore, #tpu.memory_space<semaphore_mem>>
        %dma_start3A = arith.constant 0 : i32
        %dma_start3A_58 = tpu.memref_slice %arg7[%scan3A_56, %dma_start3A] : memref<20x128xi32, #tpu.memory_space<vmem>> -> memref<1x128xi32, #tpu.memory_space<vmem>>
        %dma_start3A_59 = tpu.memref_squeeze %dma_start3A_58 : memref<1x128xi32, #tpu.memory_space<vmem>> -> memref<128xi32, #tpu.memory_space<vmem>>
        %dma_start3A_60 = arith.constant 0 : i32
        %dma_start3A_61 = arith.constant 0 : i32
        %dma_start3A_62 = tpu.memref_slice %arg2[%dma_start3A_60, %dma_start3A_61] : memref<40000x128xf32, #tpu.memory_space<hbm>> -> memref<40000x128xf32, #tpu.memory_space<hbm>>
        tpu.enqueue_indirect_dma source(%dma_start3A_62 : memref<40000x128xf32, #tpu.memory_space<hbm>>) target(%arg9 : memref<128x128xf32, #tpu.memory_space<vmem>>) offsets(%dma_start3A_59 : memref<128xi32, #tpu.memory_space<vmem>>) semaphore(%run_scoped3A_57 : memref<!tpu.dma_semaphore, #tpu.memory_space<semaphore_mem>>)
        %dma_wait3A = arith.constant 0 : i32
        %dma_wait3A_63 = tpu.memref_slice %arg7[%scan3A_56, %dma_wait3A] : memref<20x128xi32, #tpu.memory_space<vmem>> -> memref<1x128xi32, #tpu.memory_space<vmem>>
        %dma_wait3A_64 = tpu.memref_squeeze %dma_wait3A_63 : memref<1x128xi32, #tpu.memory_space<vmem>> -> memref<128xi32, #tpu.memory_space<vmem>>
        %dma_wait3A_65 = arith.constant 0 : i32
        %dma_wait3A_66 = arith.constant 0 : i32
        %dma_wait3A_67 = tpu.memref_slice %arg2[%dma_wait3A_65, %dma_wait3A_66] : memref<40000x128xf32, #tpu.memory_space<hbm>> -> memref<40000x128xf32, #tpu.memory_space<hbm>>
        tpu.wait_indirect_dma semaphore(%run_scoped3A_57 : memref<!tpu.dma_semaphore, #tpu.memory_space<semaphore_mem>>) src(%dma_wait3A_67 : memref<40000x128xf32, #tpu.memory_space<hbm>>) dst(%arg9 : memref<128x128xf32, #tpu.memory_space<vmem>>)
        tpu.yield
      }) : () -> ()
      "tpu.region"() ({
        %run_scoped3A_57 = tpu.sem_alloc : memref<!tpu.dma_semaphore, #tpu.memory_space<semaphore_mem>>
        %dma_start3A = arith.constant 0 : i32
        %dma_start3A_58 = tpu.memref_slice %arg8[%scan3A_56, %dma_start3A] : memref<20x128xi32, #tpu.memory_space<vmem>> -> memref<1x128xi32, #tpu.memory_space<vmem>>
        %dma_start3A_59 = tpu.memref_squeeze %dma_start3A_58 : memref<1x128xi32, #tpu.memory_space<vmem>> -> memref<128xi32, #tpu.memory_space<vmem>>
        %dma_start3A_60 = arith.constant 0 : i32
        %dma_start3A_61 = arith.constant 0 : i32
        %dma_start3A_62 = tpu.memref_slice %arg10[%dma_start3A_60, %dma_start3A_61] : memref<10240x128xf32, #tpu.memory_space<vmem_shared>> -> memref<10240x128xf32, #tpu.memory_space<vmem_shared>>
        tpu.enqueue_indirect_dma source(%arg9 : memref<128x128xf32, #tpu.memory_space<vmem>>) target(%dma_start3A_62 : memref<10240x128xf32, #tpu.memory_space<vmem_shared>>) offsets(%dma_start3A_59 : memref<128xi32, #tpu.memory_space<vmem>>) semaphore(%run_scoped3A_57 : memref<!tpu.dma_semaphore, #tpu.memory_space<semaphore_mem>>) {add = true}
        %dma_wait3A = arith.constant 0 : i32
        %dma_wait3A_63 = tpu.memref_slice %arg8[%scan3A_56, %dma_wait3A] : memref<20x128xi32, #tpu.memory_space<vmem>> -> memref<1x128xi32, #tpu.memory_space<vmem>>
        %dma_wait3A_64 = tpu.memref_squeeze %dma_wait3A_63 : memref<1x128xi32, #tpu.memory_space<vmem>> -> memref<128xi32, #tpu.memory_space<vmem>>
        %dma_wait3A_65 = arith.constant 0 : i32
        %dma_wait3A_66 = arith.constant 0 : i32
        %dma_wait3A_67 = tpu.memref_slice %arg10[%dma_wait3A_65, %dma_wait3A_66] : memref<10240x128xf32, #tpu.memory_space<vmem_shared>> -> memref<10240x128xf32, #tpu.memory_space<vmem_shared>>
        tpu.wait_indirect_dma semaphore(%run_scoped3A_57 : memref<!tpu.dma_semaphore, #tpu.memory_space<semaphore_mem>>) src(%arg9 : memref<128x128xf32, #tpu.memory_space<vmem>>) dst(%dma_wait3A_67 : memref<10240x128xf32, #tpu.memory_space<vmem_shared>>)
        tpu.yield
      }) : () -> ()
    }
    %scan3A_35 = arith.constant 20 : i32
    %barrier3A_36 = arith.constant 0 : index
    tpu.barrier barrier_id(%barrier3A_36)
    %add3A_37 = arith.constant 4 : i32
    %add3A_38 = arith.addi %add3A_37, %arg0 : i32
    %mul3A_39 = arith.constant 10240 : i32
    %mul3A_40 = arith.muli %add3A_38, %mul3A_39 : i32
    %add3A_41 = arith.addi %mul3A_40, %mul3A_2 : i32
    "tpu.region"() ({
      %run_scoped3A_56 = tpu.sem_alloc : memref<!tpu.dma_semaphore, #tpu.memory_space<semaphore_mem>>
      %dma_start3A = arith.constant 0 : i32
      %dma_start3A_57 = tpu.memref_slice %arg6[%add3A_41, %dma_start3A] : memref<81920x128xf32, #tpu.memory_space<hbm>> -> memref<640x128xf32, #tpu.memory_space<hbm>>
      %dma_start3A_58 = arith.constant 0 : i32
      %dma_start3A_59 = tpu.memref_slice %arg10[%mul3A_2, %dma_start3A_58] : memref<10240x128xf32, #tpu.memory_space<vmem_shared>> -> memref<640x128xf32, #tpu.memory_space<vmem_shared>>
      tpu.enqueue_dma source(%dma_start3A_59 : memref<640x128xf32, #tpu.memory_space<vmem_shared>>) target(%dma_start3A_57 : memref<640x128xf32, #tpu.memory_space<hbm>>) target_semaphore(%run_scoped3A_56 : memref<!tpu.dma_semaphore, #tpu.memory_space<semaphore_mem>>)
      %dma_wait3A = arith.constant 0 : i32
      %dma_wait3A_60 = tpu.memref_slice %arg6[%add3A_41, %dma_wait3A] : memref<81920x128xf32, #tpu.memory_space<hbm>> -> memref<640x128xf32, #tpu.memory_space<hbm>>
      %dma_wait3A_61 = arith.constant 0 : i32
      %dma_wait3A_62 = tpu.memref_slice %arg10[%mul3A_2, %dma_wait3A_61] : memref<10240x128xf32, #tpu.memory_space<vmem_shared>> -> memref<640x128xf32, #tpu.memory_space<vmem_shared>>
      tpu.wait_dma2 semaphore(%run_scoped3A_56 : memref<!tpu.dma_semaphore, #tpu.memory_space<semaphore_mem>>) src(%dma_wait3A_62 : memref<640x128xf32, #tpu.memory_space<vmem_shared>>) dst(%dma_wait3A_60 : memref<640x128xf32, #tpu.memory_space<hbm>>)
      tpu.yield
    }) : () -> ()
    "tpu.region"() ({
      %run_scoped3A_56 = tpu.sem_alloc : memref<!tpu.dma_semaphore, #tpu.memory_space<semaphore_mem>>
      %dma_start3A = arith.constant 0 : i32
      %dma_start3A_57 = tpu.memref_slice %arg10[%mul3A_2, %dma_start3A] : memref<10240x128xf32, #tpu.memory_space<vmem_shared>> -> memref<640x128xf32, #tpu.memory_space<vmem_shared>>
      tpu.enqueue_dma source(%arg5 : memref<640x128xf32, #tpu.memory_space<hbm>>) target(%dma_start3A_57 : memref<640x128xf32, #tpu.memory_space<vmem_shared>>) target_semaphore(%run_scoped3A_56 : memref<!tpu.dma_semaphore, #tpu.memory_space<semaphore_mem>>)
      %dma_wait3A = arith.constant 0 : i32
      %dma_wait3A_58 = tpu.memref_slice %arg10[%mul3A_2, %dma_wait3A] : memref<10240x128xf32, #tpu.memory_space<vmem_shared>> -> memref<640x128xf32, #tpu.memory_space<vmem_shared>>
      tpu.wait_dma2 semaphore(%run_scoped3A_56 : memref<!tpu.dma_semaphore, #tpu.memory_space<semaphore_mem>>) src(%arg5 : memref<640x128xf32, #tpu.memory_space<hbm>>) dst(%dma_wait3A_58 : memref<640x128xf32, #tpu.memory_space<vmem_shared>>)
      tpu.yield
    }) : () -> ()
    %run_scoped3A_42 = arith.constant 3 : i32
    "tpu.region"() ({
      %run_scoped3A_56 = tpu.sem_alloc : memref<!tpu.dma_semaphore, #tpu.memory_space<semaphore_mem>>
      %dma_start3A = arith.constant 0 : i32
      %dma_start3A_57 = arith.constant 0 : i32
      %dma_start3A_58 = tpu.memref_slice %arg3[%run_scoped3A_42, %add3A, %dma_start3A, %dma_start3A_57] : memref<4x32x20x128xi32, #tpu.memory_space<hbm>> -> memref<1x1x20x128xi32, #tpu.memory_space<hbm>>
      %dma_start3A_59 = tpu.memref_squeeze %dma_start3A_58 : memref<1x1x20x128xi32, #tpu.memory_space<hbm>> -> memref<20x128xi32, #tpu.memory_space<hbm>>
      %dma_start3A_60 = arith.constant 0 : i32
      %dma_start3A_61 = arith.constant 0 : i32
      %dma_start3A_62 = tpu.memref_slice %arg3[%run_scoped3A_42, %add3A, %dma_start3A_60, %dma_start3A_61] : memref<4x32x20x128xi32, #tpu.memory_space<hbm>> -> memref<1x1x20x128xi32, #tpu.memory_space<hbm>>
      %dma_start3A_63 = tpu.memref_squeeze %dma_start3A_62 : memref<1x1x20x128xi32, #tpu.memory_space<hbm>> -> memref<20x128xi32, #tpu.memory_space<hbm>>
      tpu.enqueue_dma source(%dma_start3A_63 : memref<20x128xi32, #tpu.memory_space<hbm>>) target(%arg7 : memref<20x128xi32, #tpu.memory_space<vmem>>) target_semaphore(%run_scoped3A_56 : memref<!tpu.dma_semaphore, #tpu.memory_space<semaphore_mem>>)
      %dma_wait3A = arith.constant 0 : i32
      %dma_wait3A_64 = arith.constant 0 : i32
      %dma_wait3A_65 = tpu.memref_slice %arg3[%run_scoped3A_42, %add3A, %dma_wait3A, %dma_wait3A_64] : memref<4x32x20x128xi32, #tpu.memory_space<hbm>> -> memref<1x1x20x128xi32, #tpu.memory_space<hbm>>
      %dma_wait3A_66 = tpu.memref_squeeze %dma_wait3A_65 : memref<1x1x20x128xi32, #tpu.memory_space<hbm>> -> memref<20x128xi32, #tpu.memory_space<hbm>>
      %dma_wait3A_67 = arith.constant 0 : i32
      %dma_wait3A_68 = arith.constant 0 : i32
      %dma_wait3A_69 = tpu.memref_slice %arg3[%run_scoped3A_42, %add3A, %dma_wait3A_67, %dma_wait3A_68] : memref<4x32x20x128xi32, #tpu.memory_space<hbm>> -> memref<1x1x20x128xi32, #tpu.memory_space<hbm>>
      %dma_wait3A_70 = tpu.memref_squeeze %dma_wait3A_69 : memref<1x1x20x128xi32, #tpu.memory_space<hbm>> -> memref<20x128xi32, #tpu.memory_space<hbm>>
      tpu.wait_dma2 semaphore(%run_scoped3A_56 : memref<!tpu.dma_semaphore, #tpu.memory_space<semaphore_mem>>) src(%dma_wait3A_70 : memref<20x128xi32, #tpu.memory_space<hbm>>) dst(%arg7 : memref<20x128xi32, #tpu.memory_space<vmem>>)
      tpu.yield
    }) : () -> ()
    %barrier3A_43 = arith.constant 0 : index
    tpu.barrier barrier_id(%barrier3A_43)
    %scan3A_44 = arith.constant 0 : i32
    %scan3A_45 = arith.constant 0 : i32
    %scan3A_46 = arith.constant 20 : i32
    %scan3A_47 = arith.addi %scan3A_45, %scan3A_46 : i32
    %scan3A_48 = arith.constant 1 : i32
    scf.for %scan3A_56 = %scan3A_45 to %scan3A_47 step %scan3A_48  : i32 {
      "tpu.region"() ({
        %run_scoped3A_57 = tpu.sem_alloc : memref<!tpu.dma_semaphore, #tpu.memory_space<semaphore_mem>>
        %dma_start3A = arith.constant 0 : i32
        %dma_start3A_58 = tpu.memref_slice %arg7[%scan3A_56, %dma_start3A] : memref<20x128xi32, #tpu.memory_space<vmem>> -> memref<1x128xi32, #tpu.memory_space<vmem>>
        %dma_start3A_59 = tpu.memref_squeeze %dma_start3A_58 : memref<1x128xi32, #tpu.memory_space<vmem>> -> memref<128xi32, #tpu.memory_space<vmem>>
        %dma_start3A_60 = arith.constant 0 : i32
        %dma_start3A_61 = arith.constant 0 : i32
        %dma_start3A_62 = tpu.memref_slice %arg2[%dma_start3A_60, %dma_start3A_61] : memref<40000x128xf32, #tpu.memory_space<hbm>> -> memref<40000x128xf32, #tpu.memory_space<hbm>>
        tpu.enqueue_indirect_dma source(%dma_start3A_62 : memref<40000x128xf32, #tpu.memory_space<hbm>>) target(%arg9 : memref<128x128xf32, #tpu.memory_space<vmem>>) offsets(%dma_start3A_59 : memref<128xi32, #tpu.memory_space<vmem>>) semaphore(%run_scoped3A_57 : memref<!tpu.dma_semaphore, #tpu.memory_space<semaphore_mem>>)
        %dma_wait3A = arith.constant 0 : i32
        %dma_wait3A_63 = tpu.memref_slice %arg7[%scan3A_56, %dma_wait3A] : memref<20x128xi32, #tpu.memory_space<vmem>> -> memref<1x128xi32, #tpu.memory_space<vmem>>
        %dma_wait3A_64 = tpu.memref_squeeze %dma_wait3A_63 : memref<1x128xi32, #tpu.memory_space<vmem>> -> memref<128xi32, #tpu.memory_space<vmem>>
        %dma_wait3A_65 = arith.constant 0 : i32
        %dma_wait3A_66 = arith.constant 0 : i32
        %dma_wait3A_67 = tpu.memref_slice %arg2[%dma_wait3A_65, %dma_wait3A_66] : memref<40000x128xf32, #tpu.memory_space<hbm>> -> memref<40000x128xf32, #tpu.memory_space<hbm>>
        tpu.wait_indirect_dma semaphore(%run_scoped3A_57 : memref<!tpu.dma_semaphore, #tpu.memory_space<semaphore_mem>>) src(%dma_wait3A_67 : memref<40000x128xf32, #tpu.memory_space<hbm>>) dst(%arg9 : memref<128x128xf32, #tpu.memory_space<vmem>>)
        tpu.yield
      }) : () -> ()
      "tpu.region"() ({
        %run_scoped3A_57 = tpu.sem_alloc : memref<!tpu.dma_semaphore, #tpu.memory_space<semaphore_mem>>
        %dma_start3A = arith.constant 0 : i32
        %dma_start3A_58 = tpu.memref_slice %arg8[%scan3A_56, %dma_start3A] : memref<20x128xi32, #tpu.memory_space<vmem>> -> memref<1x128xi32, #tpu.memory_space<vmem>>
        %dma_start3A_59 = tpu.memref_squeeze %dma_start3A_58 : memref<1x128xi32, #tpu.memory_space<vmem>> -> memref<128xi32, #tpu.memory_space<vmem>>
        %dma_start3A_60 = arith.constant 0 : i32
        %dma_start3A_61 = arith.constant 0 : i32
        %dma_start3A_62 = tpu.memref_slice %arg10[%dma_start3A_60, %dma_start3A_61] : memref<10240x128xf32, #tpu.memory_space<vmem_shared>> -> memref<10240x128xf32, #tpu.memory_space<vmem_shared>>
        tpu.enqueue_indirect_dma source(%arg9 : memref<128x128xf32, #tpu.memory_space<vmem>>) target(%dma_start3A_62 : memref<10240x128xf32, #tpu.memory_space<vmem_shared>>) offsets(%dma_start3A_59 : memref<128xi32, #tpu.memory_space<vmem>>) semaphore(%run_scoped3A_57 : memref<!tpu.dma_semaphore, #tpu.memory_space<semaphore_mem>>) {add = true}
        %dma_wait3A = arith.constant 0 : i32
        %dma_wait3A_63 = tpu.memref_slice %arg8[%scan3A_56, %dma_wait3A] : memref<20x128xi32, #tpu.memory_space<vmem>> -> memref<1x128xi32, #tpu.memory_space<vmem>>
        %dma_wait3A_64 = tpu.memref_squeeze %dma_wait3A_63 : memref<1x128xi32, #tpu.memory_space<vmem>> -> memref<128xi32, #tpu.memory_space<vmem>>
        %dma_wait3A_65 = arith.constant 0 : i32
        %dma_wait3A_66 = arith.constant 0 : i32
        %dma_wait3A_67 = tpu.memref_slice %arg10[%dma_wait3A_65, %dma_wait3A_66] : memref<10240x128xf32, #tpu.memory_space<vmem_shared>> -> memref<10240x128xf32, #tpu.memory_space<vmem_shared>>
        tpu.wait_indirect_dma semaphore(%run_scoped3A_57 : memref<!tpu.dma_semaphore, #tpu.memory_space<semaphore_mem>>) src(%arg9 : memref<128x128xf32, #tpu.memory_space<vmem>>) dst(%dma_wait3A_67 : memref<10240x128xf32, #tpu.memory_space<vmem_shared>>)
        tpu.yield
      }) : () -> ()
    }
    %scan3A_49 = arith.constant 20 : i32
    %barrier3A_50 = arith.constant 0 : index
    tpu.barrier barrier_id(%barrier3A_50)
    %add3A_51 = arith.constant 6 : i32
    %add3A_52 = arith.addi %add3A_51, %arg0 : i32
    %mul3A_53 = arith.constant 10240 : i32
    %mul3A_54 = arith.muli %add3A_52, %mul3A_53 : i32
    %add3A_55 = arith.addi %mul3A_54, %mul3A_2 : i32
    "tpu.region"() ({
      %run_scoped3A_56 = tpu.sem_alloc : memref<!tpu.dma_semaphore, #tpu.memory_space<semaphore_mem>>
      %dma_start3A = arith.constant 0 : i32
      %dma_start3A_57 = tpu.memref_slice %arg6[%add3A_55, %dma_start3A] : memref<81920x128xf32, #tpu.memory_space<hbm>> -> memref<640x128xf32, #tpu.memory_space<hbm>>
      %dma_start3A_58 = arith.constant 0 : i32
      %dma_start3A_59 = tpu.memref_slice %arg10[%mul3A_2, %dma_start3A_58] : memref<10240x128xf32, #tpu.memory_space<vmem_shared>> -> memref<640x128xf32, #tpu.memory_space<vmem_shared>>
      tpu.enqueue_dma source(%dma_start3A_59 : memref<640x128xf32, #tpu.memory_space<vmem_shared>>) target(%dma_start3A_57 : memref<640x128xf32, #tpu.memory_space<hbm>>) target_semaphore(%run_scoped3A_56 : memref<!tpu.dma_semaphore, #tpu.memory_space<semaphore_mem>>)
      %dma_wait3A = arith.constant 0 : i32
      %dma_wait3A_60 = tpu.memref_slice %arg6[%add3A_55, %dma_wait3A] : memref<81920x128xf32, #tpu.memory_space<hbm>> -> memref<640x128xf32, #tpu.memory_space<hbm>>
      %dma_wait3A_61 = arith.constant 0 : i32
      %dma_wait3A_62 = tpu.memref_slice %arg10[%mul3A_2, %dma_wait3A_61] : memref<10240x128xf32, #tpu.memory_space<vmem_shared>> -> memref<640x128xf32, #tpu.memory_space<vmem_shared>>
      tpu.wait_dma2 semaphore(%run_scoped3A_56 : memref<!tpu.dma_semaphore, #tpu.memory_space<semaphore_mem>>) src(%dma_wait3A_62 : memref<640x128xf32, #tpu.memory_space<vmem_shared>>) dst(%dma_wait3A_60 : memref<640x128xf32, #tpu.memory_space<hbm>>)
      tpu.yield
    }) : () -> ()
    return
  }
}

#map = affine_map<(d0, d1) -> (0, 0)>
#map1 = affine_map<(d0, d1) -> (0, 0, 0, 0)>
#map2 = affine_map<(d0, d1) -> (0, 0, 0)>
module attributes {stable_mosaic.version = 14 : i64} {
  func.func @k(%arg0: i32, %arg1: i32, %arg2: memref<40000x128xf32, #tpu.memory_space<hbm>>, %arg3: memref<4x32x20x128xi32, #tpu.memory_space<hbm>>, %arg4: memref<32x20x128xi32, #tpu.memory_space<hbm>>, %arg5: memref<640x128xf32, #tpu.memory_space<hbm>>, %arg6: memref<81920x128xf32, #tpu.memory_space<hbm>>, %arg7: memref<20x128xi32, #tpu.memory_space<vmem>>, %arg8: memref<20x128xi32, #tpu.memory_space<vmem>>, %arg9: memref<128x128xf32, #tpu.memory_space<vmem>>, %arg10: memref<10240x128xf32, #tpu.memory_space<vmem_shared>>) attributes {dimension_semantics = [#tpu.dimension_semantics<core_parallel>, #tpu.dimension_semantics<subcore_parallel>], iteration_bounds = array<i64: 2, 16>, scalar_prefetch = 0 : i64, scratch_operands = 4 : i64, tpu.core_type = #tpu.core_type<sc_vector_subcore>, window_params = [{transform_indices = #map}, {transform_indices = #map1}, {transform_indices = #map2}, {transform_indices = #map}, {transform_indices = #map}]} {
    %mul3A = arith.constant 16 : i32
    %mul3A_0 = arith.muli %arg0, %mul3A : i32
    %add3A = arith.addi %mul3A_0, %arg1 : i32
    %mul3A_1 = arith.constant 640 : i32
    %mul3A_2 = arith.muli %arg1, %mul3A_1 : i32
    "tpu.region"() ({
      %run_scoped3A_56 = tpu.sem_alloc : memref<!tpu.dma_semaphore, #tpu.memory_space<semaphore_mem>>
      %dma_start3A = arith.constant 0 : i32
      %dma_start3A_57 = arith.constant 0 : i32
      %dma_start3A_58 = tpu.memref_slice %arg4[%add3A, %dma_start3A, %dma_start3A_57] : memref<32x20x128xi32, #tpu.memory_space<hbm>> -> memref<1x20x128xi32, #tpu.memory_space<hbm>>
      %dma_start3A_59 = tpu.memref_squeeze %dma_start3A_58 : memref<1x20x128xi32, #tpu.memory_space<hbm>> -> memref<20x128xi32, #tpu.memory_space<hbm>>
      %dma_start3A_60 = arith.constant 0 : i32
      %dma_start3A_61 = arith.constant 0 : i32
      %dma_start3A_62 = tpu.memref_slice %arg4[%add3A, %dma_start3A_60, %dma_start3A_61] : memref<32x20x128xi32, #tpu.memory_space<hbm>> -> memref<1x20x128xi32, #tpu.memory_space<hbm>>
      %dma_start3A_63 = tpu.memref_squeeze %dma_start3A_62 : memref<1x20x128xi32, #tpu.memory_space<hbm>> -> memref<20x128xi32, #tpu.memory_space<hbm>>
      tpu.enqueue_dma source(%dma_start3A_63 : memref<20x128xi32, #tpu.memory_space<hbm>>) target(%arg8 : memref<20x128xi32, #tpu.memory_space<vmem>>) target_semaphore(%run_scoped3A_56 : memref<!tpu.dma_semaphore, #tpu.memory_space<semaphore_mem>>)
      %dma_wait3A = arith.constant 0 : i32
      %dma_wait3A_64 = arith.constant 0 : i32
      %dma_wait3A_65 = tpu.memref_slice %arg4[%add3A, %dma_wait3A, %dma_wait3A_64] : memref<32x20x128xi32, #tpu.memory_space<hbm>> -> memref<1x20x128xi32, #tpu.memory_space<hbm>>
      %dma_wait3A_66 = tpu.memref_squeeze %dma_wait3A_65 : memref<1x20x128xi32, #tpu.memory_space<hbm>> -> memref<20x128xi32, #tpu.memory_space<hbm>>
      %dma_wait3A_67 = arith.constant 0 : i32
      %dma_wait3A_68 = arith.constant 0 : i32
      %dma_wait3A_69 = tpu.memref_slice %arg4[%add3A, %dma_wait3A_67, %dma_wait3A_68] : memref<32x20x128xi32, #tpu.memory_space<hbm>> -> memref<1x20x128xi32, #tpu.memory_space<hbm>>
      %dma_wait3A_70 = tpu.memref_squeeze %dma_wait3A_69 : memref<1x20x128xi32, #tpu.memory_space<hbm>> -> memref<20x128xi32, #tpu.memory_space<hbm>>
      tpu.wait_dma2 semaphore(%run_scoped3A_56 : memref<!tpu.dma_semaphore, #tpu.memory_space<semaphore_mem>>) src(%dma_wait3A_70 : memref<20x128xi32, #tpu.memory_space<hbm>>) dst(%arg8 : memref<20x128xi32, #tpu.memory_space<vmem>>)
      tpu.yield
    }) : () -> ()
    "tpu.region"() ({
      %run_scoped3A_56 = tpu.sem_alloc : memref<!tpu.dma_semaphore, #tpu.memory_space<semaphore_mem>>
      %dma_start3A = arith.constant 0 : i32
      %dma_start3A_57 = tpu.memref_slice %arg10[%mul3A_2, %dma_start3A] : memref<10240x128xf32, #tpu.memory_space<vmem_shared>> -> memref<640x128xf32, #tpu.memory_space<vmem_shared>>
      tpu.enqueue_dma source(%arg5 : memref<640x128xf32, #tpu.memory_space<hbm>>) target(%dma_start3A_57 : memref<640x128xf32, #tpu.memory_space<vmem_shared>>) target_semaphore(%run_scoped3A_56 : memref<!tpu.dma_semaphore, #tpu.memory_space<semaphore_mem>>)
      %dma_wait3A = arith.constant 0 : i32
      %dma_wait3A_58 = tpu.memref_slice %arg10[%mul3A_2, %dma_wait3A] : memref<10240x128xf32, #tpu.memory_space<vmem_shared>> -> memref<640x128xf32, #tpu.memory_space<vmem_shared>>
      tpu.wait_dma2 semaphore(%run_scoped3A_56 : memref<!tpu.dma_semaphore, #tpu.memory_space<semaphore_mem>>) src(%arg5 : memref<640x128xf32, #tpu.memory_space<hbm>>) dst(%dma_wait3A_58 : memref<640x128xf32, #tpu.memory_space<vmem_shared>>)
      tpu.yield
    }) : () -> ()
    %run_scoped3A = arith.constant 0 : i32
    "tpu.region"() ({
      %run_scoped3A_56 = tpu.sem_alloc : memref<!tpu.dma_semaphore, #tpu.memory_space<semaphore_mem>>
      %dma_start3A = arith.constant 0 : i32
      %dma_start3A_57 = arith.constant 0 : i32
      %dma_start3A_58 = tpu.memref_slice %arg3[%run_scoped3A, %add3A, %dma_start3A, %dma_start3A_57] : memref<4x32x20x128xi32, #tpu.memory_space<hbm>> -> memref<1x1x20x128xi32, #tpu.memory_space<hbm>>
      %dma_start3A_59 = tpu.memref_squeeze %dma_start3A_58 : memref<1x1x20x128xi32, #tpu.memory_space<hbm>> -> memref<20x128xi32, #tpu.memory_space<hbm>>
      %dma_start3A_60 = arith.constant 0 : i32
      %dma_start3A_61 = arith.constant 0 : i32
      %dma_start3A_62 = tpu.memref_slice %arg3[%run_scoped3A, %add3A, %dma_start3A_60, %dma_start3A_61] : memref<4x32x20x128xi32, #tpu.memory_space<hbm>> -> memref<1x1x20x128xi32, #tpu.memory_space<hbm>>
      %dma_start3A_63 = tpu.memref_squeeze %dma_start3A_62 : memref<1x1x20x128xi32, #tpu.memory_space<hbm>> -> memref<20x128xi32, #tpu.memory_space<hbm>>
      tpu.enqueue_dma source(%dma_start3A_63 : memref<20x128xi32, #tpu.memory_space<hbm>>) target(%arg7 : memref<20x128xi32, #tpu.memory_space<vmem>>) target_semaphore(%run_scoped3A_56 : memref<!tpu.dma_semaphore, #tpu.memory_space<semaphore_mem>>)
      %dma_wait3A = arith.constant 0 : i32
      %dma_wait3A_64 = arith.constant 0 : i32
      %dma_wait3A_65 = tpu.memref_slice %arg3[%run_scoped3A, %add3A, %dma_wait3A, %dma_wait3A_64] : memref<4x32x20x128xi32, #tpu.memory_space<hbm>> -> memref<1x1x20x128xi32, #tpu.memory_space<hbm>>
      %dma_wait3A_66 = tpu.memref_squeeze %dma_wait3A_65 : memref<1x1x20x128xi32, #tpu.memory_space<hbm>> -> memref<20x128xi32, #tpu.memory_space<hbm>>
      %dma_wait3A_67 = arith.constant 0 : i32
      %dma_wait3A_68 = arith.constant 0 : i32
      %dma_wait3A_69 = tpu.memref_slice %arg3[%run_scoped3A, %add3A, %dma_wait3A_67, %dma_wait3A_68] : memref<4x32x20x128xi32, #tpu.memory_space<hbm>> -> memref<1x1x20x128xi32, #tpu.memory_space<hbm>>
      %dma_wait3A_70 = tpu.memref_squeeze %dma_wait3A_69 : memref<1x1x20x128xi32, #tpu.memory_space<hbm>> -> memref<20x128xi32, #tpu.memory_space<hbm>>
      tpu.wait_dma2 semaphore(%run_scoped3A_56 : memref<!tpu.dma_semaphore, #tpu.memory_space<semaphore_mem>>) src(%dma_wait3A_70 : memref<20x128xi32, #tpu.memory_space<hbm>>) dst(%arg7 : memref<20x128xi32, #tpu.memory_space<vmem>>)
      tpu.yield
    }) : () -> ()
    %barrier3A = arith.constant 0 : index
    tpu.barrier barrier_id(%barrier3A)
    %scan3A = arith.constant 0 : i32
    %scan3A_3 = arith.constant 0 : i32
    %scan3A_4 = arith.constant 20 : i32
    %scan3A_5 = arith.addi %scan3A_3, %scan3A_4 : i32
    %scan3A_6 = arith.constant 1 : i32
    scf.for %scan3A_56 = %scan3A_3 to %scan3A_5 step %scan3A_6  : i32 {
      "tpu.region"() ({
        %run_scoped3A_57 = tpu.sem_alloc : memref<!tpu.dma_semaphore, #tpu.memory_space<semaphore_mem>>
        %dma_start3A = arith.constant 0 : i32
        %dma_start3A_58 = tpu.memref_slice %arg7[%scan3A_56, %dma_start3A] : memref<20x128xi32, #tpu.memory_space<vmem>> -> memref<1x128xi32, #tpu.memory_space<vmem>>
        %dma_start3A_59 = tpu.memref_squeeze %dma_start3A_58 : memref<1x128xi32, #tpu.memory_space<vmem>> -> memref<128xi32, #tpu.memory_space<vmem>>
        %dma_start3A_60 = arith.constant 0 : i32
        %dma_start3A_61 = arith.constant 0 : i32
        %dma_start3A_62 = tpu.memref_slice %arg2[%dma_start3A_60, %dma_start3A_61] : memref<40000x128xf32, #tpu.memory_space<hbm>> -> memref<40000x128xf32, #tpu.memory_space<hbm>>
        tpu.enqueue_indirect_dma source(%dma_start3A_62 : memref<40000x128xf32, #tpu.memory_space<hbm>>) target(%arg9 : memref<128x128xf32, #tpu.memory_space<vmem>>) offsets(%dma_start3A_59 : memref<128xi32, #tpu.memory_space<vmem>>) semaphore(%run_scoped3A_57 : memref<!tpu.dma_semaphore, #tpu.memory_space<semaphore_mem>>)
        %dma_wait3A = arith.constant 0 : i32
        %dma_wait3A_63 = tpu.memref_slice %arg7[%scan3A_56, %dma_wait3A] : memref<20x128xi32, #tpu.memory_space<vmem>> -> memref<1x128xi32, #tpu.memory_space<vmem>>
        %dma_wait3A_64 = tpu.memref_squeeze %dma_wait3A_63 : memref<1x128xi32, #tpu.memory_space<vmem>> -> memref<128xi32, #tpu.memory_space<vmem>>
        %dma_wait3A_65 = arith.constant 0 : i32
        %dma_wait3A_66 = arith.constant 0 : i32
        %dma_wait3A_67 = tpu.memref_slice %arg2[%dma_wait3A_65, %dma_wait3A_66] : memref<40000x128xf32, #tpu.memory_space<hbm>> -> memref<40000x128xf32, #tpu.memory_space<hbm>>
        tpu.wait_indirect_dma semaphore(%run_scoped3A_57 : memref<!tpu.dma_semaphore, #tpu.memory_space<semaphore_mem>>) src(%dma_wait3A_67 : memref<40000x128xf32, #tpu.memory_space<hbm>>) dst(%arg9 : memref<128x128xf32, #tpu.memory_space<vmem>>)
        tpu.yield
      }) : () -> ()
      "tpu.region"() ({
        %run_scoped3A_57 = tpu.sem_alloc : memref<!tpu.dma_semaphore, #tpu.memory_space<semaphore_mem>>
        %dma_start3A = arith.constant 0 : i32
        %dma_start3A_58 = tpu.memref_slice %arg8[%scan3A_56, %dma_start3A] : memref<20x128xi32, #tpu.memory_space<vmem>> -> memref<1x128xi32, #tpu.memory_space<vmem>>
        %dma_start3A_59 = tpu.memref_squeeze %dma_start3A_58 : memref<1x128xi32, #tpu.memory_space<vmem>> -> memref<128xi32, #tpu.memory_space<vmem>>
        %dma_start3A_60 = arith.constant 0 : i32
        %dma_start3A_61 = arith.constant 0 : i32
        %dma_start3A_62 = tpu.memref_slice %arg10[%dma_start3A_60, %dma_start3A_61] : memref<10240x128xf32, #tpu.memory_space<vmem_shared>> -> memref<10240x128xf32, #tpu.memory_space<vmem_shared>>
        tpu.enqueue_indirect_dma source(%arg9 : memref<128x128xf32, #tpu.memory_space<vmem>>) target(%dma_start3A_62 : memref<10240x128xf32, #tpu.memory_space<vmem_shared>>) offsets(%dma_start3A_59 : memref<128xi32, #tpu.memory_space<vmem>>) semaphore(%run_scoped3A_57 : memref<!tpu.dma_semaphore, #tpu.memory_space<semaphore_mem>>) {add = true}
        %dma_wait3A = arith.constant 0 : i32
        %dma_wait3A_63 = tpu.memref_slice %arg8[%scan3A_56, %dma_wait3A] : memref<20x128xi32, #tpu.memory_space<vmem>> -> memref<1x128xi32, #tpu.memory_space<vmem>>
        %dma_wait3A_64 = tpu.memref_squeeze %dma_wait3A_63 : memref<1x128xi32, #tpu.memory_space<vmem>> -> memref<128xi32, #tpu.memory_space<vmem>>
        %dma_wait3A_65 = arith.constant 0 : i32
        %dma_wait3A_66 = arith.constant 0 : i32
        %dma_wait3A_67 = tpu.memref_slice %arg10[%dma_wait3A_65, %dma_wait3A_66] : memref<10240x128xf32, #tpu.memory_space<vmem_shared>> -> memref<10240x128xf32, #tpu.memory_space<vmem_shared>>
        tpu.wait_indirect_dma semaphore(%run_scoped3A_57 : memref<!tpu.dma_semaphore, #tpu.memory_space<semaphore_mem>>) src(%arg9 : memref<128x128xf32, #tpu.memory_space<vmem>>) dst(%dma_wait3A_67 : memref<10240x128xf32, #tpu.memory_space<vmem_shared>>)
        tpu.yield
      }) : () -> ()
    }
    %scan3A_7 = arith.constant 20 : i32
    %barrier3A_8 = arith.constant 0 : index
    tpu.barrier barrier_id(%barrier3A_8)
    %add3A_9 = arith.constant 0 : i32
    %add3A_10 = arith.addi %add3A_9, %arg0 : i32
    %mul3A_11 = arith.constant 10240 : i32
    %mul3A_12 = arith.muli %add3A_10, %mul3A_11 : i32
    %add3A_13 = arith.addi %mul3A_12, %mul3A_2 : i32
    "tpu.region"() ({
      %run_scoped3A_56 = tpu.sem_alloc : memref<!tpu.dma_semaphore, #tpu.memory_space<semaphore_mem>>
      %dma_start3A = arith.constant 0 : i32
      %dma_start3A_57 = tpu.memref_slice %arg6[%add3A_13, %dma_start3A] : memref<81920x128xf32, #tpu.memory_space<hbm>> -> memref<640x128xf32, #tpu.memory_space<hbm>>
      %dma_start3A_58 = arith.constant 0 : i32
      %dma_start3A_59 = tpu.memref_slice %arg10[%mul3A_2, %dma_start3A_58] : memref<10240x128xf32, #tpu.memory_space<vmem_shared>> -> memref<640x128xf32, #tpu.memory_space<vmem_shared>>
      tpu.enqueue_dma source(%dma_start3A_59 : memref<640x128xf32, #tpu.memory_space<vmem_shared>>) target(%dma_start3A_57 : memref<640x128xf32, #tpu.memory_space<hbm>>) target_semaphore(%run_scoped3A_56 : memref<!tpu.dma_semaphore, #tpu.memory_space<semaphore_mem>>)
      %dma_wait3A = arith.constant 0 : i32
      %dma_wait3A_60 = tpu.memref_slice %arg6[%add3A_13, %dma_wait3A] : memref<81920x128xf32, #tpu.memory_space<hbm>> -> memref<640x128xf32, #tpu.memory_space<hbm>>
      %dma_wait3A_61 = arith.constant 0 : i32
      %dma_wait3A_62 = tpu.memref_slice %arg10[%mul3A_2, %dma_wait3A_61] : memref<10240x128xf32, #tpu.memory_space<vmem_shared>> -> memref<640x128xf32, #tpu.memory_space<vmem_shared>>
      tpu.wait_dma2 semaphore(%run_scoped3A_56 : memref<!tpu.dma_semaphore, #tpu.memory_space<semaphore_mem>>) src(%dma_wait3A_62 : memref<640x128xf32, #tpu.memory_space<vmem_shared>>) dst(%dma_wait3A_60 : memref<640x128xf32, #tpu.memory_space<hbm>>)
      tpu.yield
    }) : () -> ()
    "tpu.region"() ({
      %run_scoped3A_56 = tpu.sem_alloc : memref<!tpu.dma_semaphore, #tpu.memory_space<semaphore_mem>>
      %dma_start3A = arith.constant 0 : i32
      %dma_start3A_57 = tpu.memref_slice %arg10[%mul3A_2, %dma_start3A] : memref<10240x128xf32, #tpu.memory_space<vmem_shared>> -> memref<640x128xf32, #tpu.memory_space<vmem_shared>>
      tpu.enqueue_dma source(%arg5 : memref<640x128xf32, #tpu.memory_space<hbm>>) target(%dma_start3A_57 : memref<640x128xf32, #tpu.memory_space<vmem_shared>>) target_semaphore(%run_scoped3A_56 : memref<!tpu.dma_semaphore, #tpu.memory_space<semaphore_mem>>)
      %dma_wait3A = arith.constant 0 : i32
      %dma_wait3A_58 = tpu.memref_slice %arg10[%mul3A_2, %dma_wait3A] : memref<10240x128xf32, #tpu.memory_space<vmem_shared>> -> memref<640x128xf32, #tpu.memory_space<vmem_shared>>
      tpu.wait_dma2 semaphore(%run_scoped3A_56 : memref<!tpu.dma_semaphore, #tpu.memory_space<semaphore_mem>>) src(%arg5 : memref<640x128xf32, #tpu.memory_space<hbm>>) dst(%dma_wait3A_58 : memref<640x128xf32, #tpu.memory_space<vmem_shared>>)
      tpu.yield
    }) : () -> ()
    %run_scoped3A_14 = arith.constant 1 : i32
    "tpu.region"() ({
      %run_scoped3A_56 = tpu.sem_alloc : memref<!tpu.dma_semaphore, #tpu.memory_space<semaphore_mem>>
      %dma_start3A = arith.constant 0 : i32
      %dma_start3A_57 = arith.constant 0 : i32
      %dma_start3A_58 = tpu.memref_slice %arg3[%run_scoped3A_14, %add3A, %dma_start3A, %dma_start3A_57] : memref<4x32x20x128xi32, #tpu.memory_space<hbm>> -> memref<1x1x20x128xi32, #tpu.memory_space<hbm>>
      %dma_start3A_59 = tpu.memref_squeeze %dma_start3A_58 : memref<1x1x20x128xi32, #tpu.memory_space<hbm>> -> memref<20x128xi32, #tpu.memory_space<hbm>>
      %dma_start3A_60 = arith.constant 0 : i32
      %dma_start3A_61 = arith.constant 0 : i32
      %dma_start3A_62 = tpu.memref_slice %arg3[%run_scoped3A_14, %add3A, %dma_start3A_60, %dma_start3A_61] : memref<4x32x20x128xi32, #tpu.memory_space<hbm>> -> memref<1x1x20x128xi32, #tpu.memory_space<hbm>>
      %dma_start3A_63 = tpu.memref_squeeze %dma_start3A_62 : memref<1x1x20x128xi32, #tpu.memory_space<hbm>> -> memref<20x128xi32, #tpu.memory_space<hbm>>
      tpu.enqueue_dma source(%dma_start3A_63 : memref<20x128xi32, #tpu.memory_space<hbm>>) target(%arg7 : memref<20x128xi32, #tpu.memory_space<vmem>>) target_semaphore(%run_scoped3A_56 : memref<!tpu.dma_semaphore, #tpu.memory_space<semaphore_mem>>)
      %dma_wait3A = arith.constant 0 : i32
      %dma_wait3A_64 = arith.constant 0 : i32
      %dma_wait3A_65 = tpu.memref_slice %arg3[%run_scoped3A_14, %add3A, %dma_wait3A, %dma_wait3A_64] : memref<4x32x20x128xi32, #tpu.memory_space<hbm>> -> memref<1x1x20x128xi32, #tpu.memory_space<hbm>>
      %dma_wait3A_66 = tpu.memref_squeeze %dma_wait3A_65 : memref<1x1x20x128xi32, #tpu.memory_space<hbm>> -> memref<20x128xi32, #tpu.memory_space<hbm>>
      %dma_wait3A_67 = arith.constant 0 : i32
      %dma_wait3A_68 = arith.constant 0 : i32
      %dma_wait3A_69 = tpu.memref_slice %arg3[%run_scoped3A_14, %add3A, %dma_wait3A_67, %dma_wait3A_68] : memref<4x32x20x128xi32, #tpu.memory_space<hbm>> -> memref<1x1x20x128xi32, #tpu.memory_space<hbm>>
      %dma_wait3A_70 = tpu.memref_squeeze %dma_wait3A_69 : memref<1x1x20x128xi32, #tpu.memory_space<hbm>> -> memref<20x128xi32, #tpu.memory_space<hbm>>
      tpu.wait_dma2 semaphore(%run_scoped3A_56 : memref<!tpu.dma_semaphore, #tpu.memory_space<semaphore_mem>>) src(%dma_wait3A_70 : memref<20x128xi32, #tpu.memory_space<hbm>>) dst(%arg7 : memref<20x128xi32, #tpu.memory_space<vmem>>)
      tpu.yield
    }) : () -> ()
    %barrier3A_15 = arith.constant 0 : index
    tpu.barrier barrier_id(%barrier3A_15)
    %scan3A_16 = arith.constant 0 : i32
    %scan3A_17 = arith.constant 0 : i32
    %scan3A_18 = arith.constant 20 : i32
    %scan3A_19 = arith.addi %scan3A_17, %scan3A_18 : i32
    %scan3A_20 = arith.constant 1 : i32
    scf.for %scan3A_56 = %scan3A_17 to %scan3A_19 step %scan3A_20  : i32 {
      "tpu.region"() ({
        %run_scoped3A_57 = tpu.sem_alloc : memref<!tpu.dma_semaphore, #tpu.memory_space<semaphore_mem>>
        %dma_start3A = arith.constant 0 : i32
        %dma_start3A_58 = tpu.memref_slice %arg7[%scan3A_56, %dma_start3A] : memref<20x128xi32, #tpu.memory_space<vmem>> -> memref<1x128xi32, #tpu.memory_space<vmem>>
        %dma_start3A_59 = tpu.memref_squeeze %dma_start3A_58 : memref<1x128xi32, #tpu.memory_space<vmem>> -> memref<128xi32, #tpu.memory_space<vmem>>
        %dma_start3A_60 = arith.constant 0 : i32
        %dma_start3A_61 = arith.constant 0 : i32
        %dma_start3A_62 = tpu.memref_slice %arg2[%dma_start3A_60, %dma_start3A_61] : memref<40000x128xf32, #tpu.memory_space<hbm>> -> memref<40000x128xf32, #tpu.memory_space<hbm>>
        tpu.enqueue_indirect_dma source(%dma_start3A_62 : memref<40000x128xf32, #tpu.memory_space<hbm>>) target(%arg9 : memref<128x128xf32, #tpu.memory_space<vmem>>) offsets(%dma_start3A_59 : memref<128xi32, #tpu.memory_space<vmem>>) semaphore(%run_scoped3A_57 : memref<!tpu.dma_semaphore, #tpu.memory_space<semaphore_mem>>)
        %dma_wait3A = arith.constant 0 : i32
        %dma_wait3A_63 = tpu.memref_slice %arg7[%scan3A_56, %dma_wait3A] : memref<20x128xi32, #tpu.memory_space<vmem>> -> memref<1x128xi32, #tpu.memory_space<vmem>>
        %dma_wait3A_64 = tpu.memref_squeeze %dma_wait3A_63 : memref<1x128xi32, #tpu.memory_space<vmem>> -> memref<128xi32, #tpu.memory_space<vmem>>
        %dma_wait3A_65 = arith.constant 0 : i32
        %dma_wait3A_66 = arith.constant 0 : i32
        %dma_wait3A_67 = tpu.memref_slice %arg2[%dma_wait3A_65, %dma_wait3A_66] : memref<40000x128xf32, #tpu.memory_space<hbm>> -> memref<40000x128xf32, #tpu.memory_space<hbm>>
        tpu.wait_indirect_dma semaphore(%run_scoped3A_57 : memref<!tpu.dma_semaphore, #tpu.memory_space<semaphore_mem>>) src(%dma_wait3A_67 : memref<40000x128xf32, #tpu.memory_space<hbm>>) dst(%arg9 : memref<128x128xf32, #tpu.memory_space<vmem>>)
        tpu.yield
      }) : () -> ()
      "tpu.region"() ({
        %run_scoped3A_57 = tpu.sem_alloc : memref<!tpu.dma_semaphore, #tpu.memory_space<semaphore_mem>>
        %dma_start3A = arith.constant 0 : i32
        %dma_start3A_58 = tpu.memref_slice %arg8[%scan3A_56, %dma_start3A] : memref<20x128xi32, #tpu.memory_space<vmem>> -> memref<1x128xi32, #tpu.memory_space<vmem>>
        %dma_start3A_59 = tpu.memref_squeeze %dma_start3A_58 : memref<1x128xi32, #tpu.memory_space<vmem>> -> memref<128xi32, #tpu.memory_space<vmem>>
        %dma_start3A_60 = arith.constant 0 : i32
        %dma_start3A_61 = arith.constant 0 : i32
        %dma_start3A_62 = tpu.memref_slice %arg10[%dma_start3A_60, %dma_start3A_61] : memref<10240x128xf32, #tpu.memory_space<vmem_shared>> -> memref<10240x128xf32, #tpu.memory_space<vmem_shared>>
        tpu.enqueue_indirect_dma source(%arg9 : memref<128x128xf32, #tpu.memory_space<vmem>>) target(%dma_start3A_62 : memref<10240x128xf32, #tpu.memory_space<vmem_shared>>) offsets(%dma_start3A_59 : memref<128xi32, #tpu.memory_space<vmem>>) semaphore(%run_scoped3A_57 : memref<!tpu.dma_semaphore, #tpu.memory_space<semaphore_mem>>) {add = true}
        %dma_wait3A = arith.constant 0 : i32
        %dma_wait3A_63 = tpu.memref_slice %arg8[%scan3A_56, %dma_wait3A] : memref<20x128xi32, #tpu.memory_space<vmem>> -> memref<1x128xi32, #tpu.memory_space<vmem>>
        %dma_wait3A_64 = tpu.memref_squeeze %dma_wait3A_63 : memref<1x128xi32, #tpu.memory_space<vmem>> -> memref<128xi32, #tpu.memory_space<vmem>>
        %dma_wait3A_65 = arith.constant 0 : i32
        %dma_wait3A_66 = arith.constant 0 : i32
        %dma_wait3A_67 = tpu.memref_slice %arg10[%dma_wait3A_65, %dma_wait3A_66] : memref<10240x128xf32, #tpu.memory_space<vmem_shared>> -> memref<10240x128xf32, #tpu.memory_space<vmem_shared>>
        tpu.wait_indirect_dma semaphore(%run_scoped3A_57 : memref<!tpu.dma_semaphore, #tpu.memory_space<semaphore_mem>>) src(%arg9 : memref<128x128xf32, #tpu.memory_space<vmem>>) dst(%dma_wait3A_67 : memref<10240x128xf32, #tpu.memory_space<vmem_shared>>)
        tpu.yield
      }) : () -> ()
    }
    %scan3A_21 = arith.constant 20 : i32
    %barrier3A_22 = arith.constant 0 : index
    tpu.barrier barrier_id(%barrier3A_22)
    %add3A_23 = arith.constant 2 : i32
    %add3A_24 = arith.addi %add3A_23, %arg0 : i32
    %mul3A_25 = arith.constant 10240 : i32
    %mul3A_26 = arith.muli %add3A_24, %mul3A_25 : i32
    %add3A_27 = arith.addi %mul3A_26, %mul3A_2 : i32
    "tpu.region"() ({
      %run_scoped3A_56 = tpu.sem_alloc : memref<!tpu.dma_semaphore, #tpu.memory_space<semaphore_mem>>
      %dma_start3A = arith.constant 0 : i32
      %dma_start3A_57 = tpu.memref_slice %arg6[%add3A_27, %dma_start3A] : memref<81920x128xf32, #tpu.memory_space<hbm>> -> memref<640x128xf32, #tpu.memory_space<hbm>>
      %dma_start3A_58 = arith.constant 0 : i32
      %dma_start3A_59 = tpu.memref_slice %arg10[%mul3A_2, %dma_start3A_58] : memref<10240x128xf32, #tpu.memory_space<vmem_shared>> -> memref<640x128xf32, #tpu.memory_space<vmem_shared>>
      tpu.enqueue_dma source(%dma_start3A_59 : memref<640x128xf32, #tpu.memory_space<vmem_shared>>) target(%dma_start3A_57 : memref<640x128xf32, #tpu.memory_space<hbm>>) target_semaphore(%run_scoped3A_56 : memref<!tpu.dma_semaphore, #tpu.memory_space<semaphore_mem>>)
      %dma_wait3A = arith.constant 0 : i32
      %dma_wait3A_60 = tpu.memref_slice %arg6[%add3A_27, %dma_wait3A] : memref<81920x128xf32, #tpu.memory_space<hbm>> -> memref<640x128xf32, #tpu.memory_space<hbm>>
      %dma_wait3A_61 = arith.constant 0 : i32
      %dma_wait3A_62 = tpu.memref_slice %arg10[%mul3A_2, %dma_wait3A_61] : memref<10240x128xf32, #tpu.memory_space<vmem_shared>> -> memref<640x128xf32, #tpu.memory_space<vmem_shared>>
      tpu.wait_dma2 semaphore(%run_scoped3A_56 : memref<!tpu.dma_semaphore, #tpu.memory_space<semaphore_mem>>) src(%dma_wait3A_62 : memref<640x128xf32, #tpu.memory_space<vmem_shared>>) dst(%dma_wait3A_60 : memref<640x128xf32, #tpu.memory_space<hbm>>)
      tpu.yield
    }) : () -> ()
    "tpu.region"() ({
      %run_scoped3A_56 = tpu.sem_alloc : memref<!tpu.dma_semaphore, #tpu.memory_space<semaphore_mem>>
      %dma_start3A = arith.constant 0 : i32
      %dma_start3A_57 = tpu.memref_slice %arg10[%mul3A_2, %dma_start3A] : memref<10240x128xf32, #tpu.memory_space<vmem_shared>> -> memref<640x128xf32, #tpu.memory_space<vmem_shared>>
      tpu.enqueue_dma source(%arg5 : memref<640x128xf32, #tpu.memory_space<hbm>>) target(%dma_start3A_57 : memref<640x128xf32, #tpu.memory_space<vmem_shared>>) target_semaphore(%run_scoped3A_56 : memref<!tpu.dma_semaphore, #tpu.memory_space<semaphore_mem>>)
      %dma_wait3A = arith.constant 0 : i32
      %dma_wait3A_58 = tpu.memref_slice %arg10[%mul3A_2, %dma_wait3A] : memref<10240x128xf32, #tpu.memory_space<vmem_shared>> -> memref<640x128xf32, #tpu.memory_space<vmem_shared>>
      tpu.wait_dma2 semaphore(%run_scoped3A_56 : memref<!tpu.dma_semaphore, #tpu.memory_space<semaphore_mem>>) src(%arg5 : memref<640x128xf32, #tpu.memory_space<hbm>>) dst(%dma_wait3A_58 : memref<640x128xf32, #tpu.memory_space<vmem_shared>>)
      tpu.yield
    }) : () -> ()
    %run_scoped3A_28 = arith.constant 2 : i32
    "tpu.region"() ({
      %run_scoped3A_56 = tpu.sem_alloc : memref<!tpu.dma_semaphore, #tpu.memory_space<semaphore_mem>>
      %dma_start3A = arith.constant 0 : i32
      %dma_start3A_57 = arith.constant 0 : i32
      %dma_start3A_58 = tpu.memref_slice %arg3[%run_scoped3A_28, %add3A, %dma_start3A, %dma_start3A_57] : memref<4x32x20x128xi32, #tpu.memory_space<hbm>> -> memref<1x1x20x128xi32, #tpu.memory_space<hbm>>
      %dma_start3A_59 = tpu.memref_squeeze %dma_start3A_58 : memref<1x1x20x128xi32, #tpu.memory_space<hbm>> -> memref<20x128xi32, #tpu.memory_space<hbm>>
      %dma_start3A_60 = arith.constant 0 : i32
      %dma_start3A_61 = arith.constant 0 : i32
      %dma_start3A_62 = tpu.memref_slice %arg3[%run_scoped3A_28, %add3A, %dma_start3A_60, %dma_start3A_61] : memref<4x32x20x128xi32, #tpu.memory_space<hbm>> -> memref<1x1x20x128xi32, #tpu.memory_space<hbm>>
      %dma_start3A_63 = tpu.memref_squeeze %dma_start3A_62 : memref<1x1x20x128xi32, #tpu.memory_space<hbm>> -> memref<20x128xi32, #tpu.memory_space<hbm>>
      tpu.enqueue_dma source(%dma_start3A_63 : memref<20x128xi32, #tpu.memory_space<hbm>>) target(%arg7 : memref<20x128xi32, #tpu.memory_space<vmem>>) target_semaphore(%run_scoped3A_56 : memref<!tpu.dma_semaphore, #tpu.memory_space<semaphore_mem>>)
      %dma_wait3A = arith.constant 0 : i32
      %dma_wait3A_64 = arith.constant 0 : i32
      %dma_wait3A_65 = tpu.memref_slice %arg3[%run_scoped3A_28, %add3A, %dma_wait3A, %dma_wait3A_64] : memref<4x32x20x128xi32, #tpu.memory_space<hbm>> -> memref<1x1x20x128xi32, #tpu.memory_space<hbm>>
      %dma_wait3A_66 = tpu.memref_squeeze %dma_wait3A_65 : memref<1x1x20x128xi32, #tpu.memory_space<hbm>> -> memref<20x128xi32, #tpu.memory_space<hbm>>
      %dma_wait3A_67 = arith.constant 0 : i32
      %dma_wait3A_68 = arith.constant 0 : i32
      %dma_wait3A_69 = tpu.memref_slice %arg3[%run_scoped3A_28, %add3A, %dma_wait3A_67, %dma_wait3A_68] : memref<4x32x20x128xi32, #tpu.memory_space<hbm>> -> memref<1x1x20x128xi32, #tpu.memory_space<hbm>>
      %dma_wait3A_70 = tpu.memref_squeeze %dma_wait3A_69 : memref<1x1x20x128xi32, #tpu.memory_space<hbm>> -> memref<20x128xi32, #tpu.memory_space<hbm>>
      tpu.wait_dma2 semaphore(%run_scoped3A_56 : memref<!tpu.dma_semaphore, #tpu.memory_space<semaphore_mem>>) src(%dma_wait3A_70 : memref<20x128xi32, #tpu.memory_space<hbm>>) dst(%arg7 : memref<20x128xi32, #tpu.memory_space<vmem>>)
      tpu.yield
    }) : () -> ()
    %barrier3A_29 = arith.constant 0 : index
    tpu.barrier barrier_id(%barrier3A_29)
    %scan3A_30 = arith.constant 0 : i32
    %scan3A_31 = arith.constant 0 : i32
    %scan3A_32 = arith.constant 20 : i32
    %scan3A_33 = arith.addi %scan3A_31, %scan3A_32 : i32
    %scan3A_34 = arith.constant 1 : i32
    scf.for %scan3A_56 = %scan3A_31 to %scan3A_33 step %scan3A_34  : i32 {
      "tpu.region"() ({
        %run_scoped3A_57 = tpu.sem_alloc : memref<!tpu.dma_semaphore, #tpu.memory_space<semaphore_mem>>
        %dma_start3A = arith.constant 0 : i32
        %dma_start3A_58 = tpu.memref_slice %arg7[%scan3A_56, %dma_start3A] : memref<20x128xi32, #tpu.memory_space<vmem>> -> memref<1x128xi32, #tpu.memory_space<vmem>>
        %dma_start3A_59 = tpu.memref_squeeze %dma_start3A_58 : memref<1x128xi32, #tpu.memory_space<vmem>> -> memref<128xi32, #tpu.memory_space<vmem>>
        %dma_start3A_60 = arith.constant 0 : i32
        %dma_start3A_61 = arith.constant 0 : i32
        %dma_start3A_62 = tpu.memref_slice %arg2[%dma_start3A_60, %dma_start3A_61] : memref<40000x128xf32, #tpu.memory_space<hbm>> -> memref<40000x128xf32, #tpu.memory_space<hbm>>
        tpu.enqueue_indirect_dma source(%dma_start3A_62 : memref<40000x128xf32, #tpu.memory_space<hbm>>) target(%arg9 : memref<128x128xf32, #tpu.memory_space<vmem>>) offsets(%dma_start3A_59 : memref<128xi32, #tpu.memory_space<vmem>>) semaphore(%run_scoped3A_57 : memref<!tpu.dma_semaphore, #tpu.memory_space<semaphore_mem>>)
        %dma_wait3A = arith.constant 0 : i32
        %dma_wait3A_63 = tpu.memref_slice %arg7[%scan3A_56, %dma_wait3A] : memref<20x128xi32, #tpu.memory_space<vmem>> -> memref<1x128xi32, #tpu.memory_space<vmem>>
        %dma_wait3A_64 = tpu.memref_squeeze %dma_wait3A_63 : memref<1x128xi32, #tpu.memory_space<vmem>> -> memref<128xi32, #tpu.memory_space<vmem>>
        %dma_wait3A_65 = arith.constant 0 : i32
        %dma_wait3A_66 = arith.constant 0 : i32
        %dma_wait3A_67 = tpu.memref_slice %arg2[%dma_wait3A_65, %dma_wait3A_66] : memref<40000x128xf32, #tpu.memory_space<hbm>> -> memref<40000x128xf32, #tpu.memory_space<hbm>>
        tpu.wait_indirect_dma semaphore(%run_scoped3A_57 : memref<!tpu.dma_semaphore, #tpu.memory_space<semaphore_mem>>) src(%dma_wait3A_67 : memref<40000x128xf32, #tpu.memory_space<hbm>>) dst(%arg9 : memref<128x128xf32, #tpu.memory_space<vmem>>)
        tpu.yield
      }) : () -> ()
      "tpu.region"() ({
        %run_scoped3A_57 = tpu.sem_alloc : memref<!tpu.dma_semaphore, #tpu.memory_space<semaphore_mem>>
        %dma_start3A = arith.constant 0 : i32
        %dma_start3A_58 = tpu.memref_slice %arg8[%scan3A_56, %dma_start3A] : memref<20x128xi32, #tpu.memory_space<vmem>> -> memref<1x128xi32, #tpu.memory_space<vmem>>
        %dma_start3A_59 = tpu.memref_squeeze %dma_start3A_58 : memref<1x128xi32, #tpu.memory_space<vmem>> -> memref<128xi32, #tpu.memory_space<vmem>>
        %dma_start3A_60 = arith.constant 0 : i32
        %dma_start3A_61 = arith.constant 0 : i32
        %dma_start3A_62 = tpu.memref_slice %arg10[%dma_start3A_60, %dma_start3A_61] : memref<10240x128xf32, #tpu.memory_space<vmem_shared>> -> memref<10240x128xf32, #tpu.memory_space<vmem_shared>>
        tpu.enqueue_indirect_dma source(%arg9 : memref<128x128xf32, #tpu.memory_space<vmem>>) target(%dma_start3A_62 : memref<10240x128xf32, #tpu.memory_space<vmem_shared>>) offsets(%dma_start3A_59 : memref<128xi32, #tpu.memory_space<vmem>>) semaphore(%run_scoped3A_57 : memref<!tpu.dma_semaphore, #tpu.memory_space<semaphore_mem>>) {add = true}
        %dma_wait3A = arith.constant 0 : i32
        %dma_wait3A_63 = tpu.memref_slice %arg8[%scan3A_56, %dma_wait3A] : memref<20x128xi32, #tpu.memory_space<vmem>> -> memref<1x128xi32, #tpu.memory_space<vmem>>
        %dma_wait3A_64 = tpu.memref_squeeze %dma_wait3A_63 : memref<1x128xi32, #tpu.memory_space<vmem>> -> memref<128xi32, #tpu.memory_space<vmem>>
        %dma_wait3A_65 = arith.constant 0 : i32
        %dma_wait3A_66 = arith.constant 0 : i32
        %dma_wait3A_67 = tpu.memref_slice %arg10[%dma_wait3A_65, %dma_wait3A_66] : memref<10240x128xf32, #tpu.memory_space<vmem_shared>> -> memref<10240x128xf32, #tpu.memory_space<vmem_shared>>
        tpu.wait_indirect_dma semaphore(%run_scoped3A_57 : memref<!tpu.dma_semaphore, #tpu.memory_space<semaphore_mem>>) src(%arg9 : memref<128x128xf32, #tpu.memory_space<vmem>>) dst(%dma_wait3A_67 : memref<10240x128xf32, #tpu.memory_space<vmem_shared>>)
        tpu.yield
      }) : () -> ()
    }
    %scan3A_35 = arith.constant 20 : i32
    %barrier3A_36 = arith.constant 0 : index
    tpu.barrier barrier_id(%barrier3A_36)
    %add3A_37 = arith.constant 4 : i32
    %add3A_38 = arith.addi %add3A_37, %arg0 : i32
    %mul3A_39 = arith.constant 10240 : i32
    %mul3A_40 = arith.muli %add3A_38, %mul3A_39 : i32
    %add3A_41 = arith.addi %mul3A_40, %mul3A_2 : i32
    "tpu.region"() ({
      %run_scoped3A_56 = tpu.sem_alloc : memref<!tpu.dma_semaphore, #tpu.memory_space<semaphore_mem>>
      %dma_start3A = arith.constant 0 : i32
      %dma_start3A_57 = tpu.memref_slice %arg6[%add3A_41, %dma_start3A] : memref<81920x128xf32, #tpu.memory_space<hbm>> -> memref<640x128xf32, #tpu.memory_space<hbm>>
      %dma_start3A_58 = arith.constant 0 : i32
      %dma_start3A_59 = tpu.memref_slice %arg10[%mul3A_2, %dma_start3A_58] : memref<10240x128xf32, #tpu.memory_space<vmem_shared>> -> memref<640x128xf32, #tpu.memory_space<vmem_shared>>
      tpu.enqueue_dma source(%dma_start3A_59 : memref<640x128xf32, #tpu.memory_space<vmem_shared>>) target(%dma_start3A_57 : memref<640x128xf32, #tpu.memory_space<hbm>>) target_semaphore(%run_scoped3A_56 : memref<!tpu.dma_semaphore, #tpu.memory_space<semaphore_mem>>)
      %dma_wait3A = arith.constant 0 : i32
      %dma_wait3A_60 = tpu.memref_slice %arg6[%add3A_41, %dma_wait3A] : memref<81920x128xf32, #tpu.memory_space<hbm>> -> memref<640x128xf32, #tpu.memory_space<hbm>>
      %dma_wait3A_61 = arith.constant 0 : i32
      %dma_wait3A_62 = tpu.memref_slice %arg10[%mul3A_2, %dma_wait3A_61] : memref<10240x128xf32, #tpu.memory_space<vmem_shared>> -> memref<640x128xf32, #tpu.memory_space<vmem_shared>>
      tpu.wait_dma2 semaphore(%run_scoped3A_56 : memref<!tpu.dma_semaphore, #tpu.memory_space<semaphore_mem>>) src(%dma_wait3A_62 : memref<640x128xf32, #tpu.memory_space<vmem_shared>>) dst(%dma_wait3A_60 : memref<640x128xf32, #tpu.memory_space<hbm>>)
      tpu.yield
    }) : () -> ()
    "tpu.region"() ({
      %run_scoped3A_56 = tpu.sem_alloc : memref<!tpu.dma_semaphore, #tpu.memory_space<semaphore_mem>>
      %dma_start3A = arith.constant 0 : i32
      %dma_start3A_57 = tpu.memref_slice %arg10[%mul3A_2, %dma_start3A] : memref<10240x128xf32, #tpu.memory_space<vmem_shared>> -> memref<640x128xf32, #tpu.memory_space<vmem_shared>>
      tpu.enqueue_dma source(%arg5 : memref<640x128xf32, #tpu.memory_space<hbm>>) target(%dma_start3A_57 : memref<640x128xf32, #tpu.memory_space<vmem_shared>>) target_semaphore(%run_scoped3A_56 : memref<!tpu.dma_semaphore, #tpu.memory_space<semaphore_mem>>)
      %dma_wait3A = arith.constant 0 : i32
      %dma_wait3A_58 = tpu.memref_slice %arg10[%mul3A_2, %dma_wait3A] : memref<10240x128xf32, #tpu.memory_space<vmem_shared>> -> memref<640x128xf32, #tpu.memory_space<vmem_shared>>
      tpu.wait_dma2 semaphore(%run_scoped3A_56 : memref<!tpu.dma_semaphore, #tpu.memory_space<semaphore_mem>>) src(%arg5 : memref<640x128xf32, #tpu.memory_space<hbm>>) dst(%dma_wait3A_58 : memref<640x128xf32, #tpu.memory_space<vmem_shared>>)
      tpu.yield
    }) : () -> ()
    %run_scoped3A_42 = arith.constant 3 : i32
    "tpu.region"() ({
      %run_scoped3A_56 = tpu.sem_alloc : memref<!tpu.dma_semaphore, #tpu.memory_space<semaphore_mem>>
      %dma_start3A = arith.constant 0 : i32
      %dma_start3A_57 = arith.constant 0 : i32
      %dma_start3A_58 = tpu.memref_slice %arg3[%run_scoped3A_42, %add3A, %dma_start3A, %dma_start3A_57] : memref<4x32x20x128xi32, #tpu.memory_space<hbm>> -> memref<1x1x20x128xi32, #tpu.memory_space<hbm>>
      %dma_start3A_59 = tpu.memref_squeeze %dma_start3A_58 : memref<1x1x20x128xi32, #tpu.memory_space<hbm>> -> memref<20x128xi32, #tpu.memory_space<hbm>>
      %dma_start3A_60 = arith.constant 0 : i32
      %dma_start3A_61 = arith.constant 0 : i32
      %dma_start3A_62 = tpu.memref_slice %arg3[%run_scoped3A_42, %add3A, %dma_start3A_60, %dma_start3A_61] : memref<4x32x20x128xi32, #tpu.memory_space<hbm>> -> memref<1x1x20x128xi32, #tpu.memory_space<hbm>>
      %dma_start3A_63 = tpu.memref_squeeze %dma_start3A_62 : memref<1x1x20x128xi32, #tpu.memory_space<hbm>> -> memref<20x128xi32, #tpu.memory_space<hbm>>
      tpu.enqueue_dma source(%dma_start3A_63 : memref<20x128xi32, #tpu.memory_space<hbm>>) target(%arg7 : memref<20x128xi32, #tpu.memory_space<vmem>>) target_semaphore(%run_scoped3A_56 : memref<!tpu.dma_semaphore, #tpu.memory_space<semaphore_mem>>)
      %dma_wait3A = arith.constant 0 : i32
      %dma_wait3A_64 = arith.constant 0 : i32
      %dma_wait3A_65 = tpu.memref_slice %arg3[%run_scoped3A_42, %add3A, %dma_wait3A, %dma_wait3A_64] : memref<4x32x20x128xi32, #tpu.memory_space<hbm>> -> memref<1x1x20x128xi32, #tpu.memory_space<hbm>>
      %dma_wait3A_66 = tpu.memref_squeeze %dma_wait3A_65 : memref<1x1x20x128xi32, #tpu.memory_space<hbm>> -> memref<20x128xi32, #tpu.memory_space<hbm>>
      %dma_wait3A_67 = arith.constant 0 : i32
      %dma_wait3A_68 = arith.constant 0 : i32
      %dma_wait3A_69 = tpu.memref_slice %arg3[%run_scoped3A_42, %add3A, %dma_wait3A_67, %dma_wait3A_68] : memref<4x32x20x128xi32, #tpu.memory_space<hbm>> -> memref<1x1x20x128xi32, #tpu.memory_space<hbm>>
      %dma_wait3A_70 = tpu.memref_squeeze %dma_wait3A_69 : memref<1x1x20x128xi32, #tpu.memory_space<hbm>> -> memref<20x128xi32, #tpu.memory_space<hbm>>
      tpu.wait_dma2 semaphore(%run_scoped3A_56 : memref<!tpu.dma_semaphore, #tpu.memory_space<semaphore_mem>>) src(%dma_wait3A_70 : memref<20x128xi32, #tpu.memory_space<hbm>>) dst(%arg7 : memref<20x128xi32, #tpu.memory_space<vmem>>)
      tpu.yield
    }) : () -> ()
    %barrier3A_43 = arith.constant 0 : index
    tpu.barrier barrier_id(%barrier3A_43)
    %scan3A_44 = arith.constant 0 : i32
    %scan3A_45 = arith.constant 0 : i32
    %scan3A_46 = arith.constant 20 : i32
    %scan3A_47 = arith.addi %scan3A_45, %scan3A_46 : i32
    %scan3A_48 = arith.constant 1 : i32
    scf.for %scan3A_56 = %scan3A_45 to %scan3A_47 step %scan3A_48  : i32 {
      "tpu.region"() ({
        %run_scoped3A_57 = tpu.sem_alloc : memref<!tpu.dma_semaphore, #tpu.memory_space<semaphore_mem>>
        %dma_start3A = arith.constant 0 : i32
        %dma_start3A_58 = tpu.memref_slice %arg7[%scan3A_56, %dma_start3A] : memref<20x128xi32, #tpu.memory_space<vmem>> -> memref<1x128xi32, #tpu.memory_space<vmem>>
        %dma_start3A_59 = tpu.memref_squeeze %dma_start3A_58 : memref<1x128xi32, #tpu.memory_space<vmem>> -> memref<128xi32, #tpu.memory_space<vmem>>
        %dma_start3A_60 = arith.constant 0 : i32
        %dma_start3A_61 = arith.constant 0 : i32
        %dma_start3A_62 = tpu.memref_slice %arg2[%dma_start3A_60, %dma_start3A_61] : memref<40000x128xf32, #tpu.memory_space<hbm>> -> memref<40000x128xf32, #tpu.memory_space<hbm>>
        tpu.enqueue_indirect_dma source(%dma_start3A_62 : memref<40000x128xf32, #tpu.memory_space<hbm>>) target(%arg9 : memref<128x128xf32, #tpu.memory_space<vmem>>) offsets(%dma_start3A_59 : memref<128xi32, #tpu.memory_space<vmem>>) semaphore(%run_scoped3A_57 : memref<!tpu.dma_semaphore, #tpu.memory_space<semaphore_mem>>)
        %dma_wait3A = arith.constant 0 : i32
        %dma_wait3A_63 = tpu.memref_slice %arg7[%scan3A_56, %dma_wait3A] : memref<20x128xi32, #tpu.memory_space<vmem>> -> memref<1x128xi32, #tpu.memory_space<vmem>>
        %dma_wait3A_64 = tpu.memref_squeeze %dma_wait3A_63 : memref<1x128xi32, #tpu.memory_space<vmem>> -> memref<128xi32, #tpu.memory_space<vmem>>
        %dma_wait3A_65 = arith.constant 0 : i32
        %dma_wait3A_66 = arith.constant 0 : i32
        %dma_wait3A_67 = tpu.memref_slice %arg2[%dma_wait3A_65, %dma_wait3A_66] : memref<40000x128xf32, #tpu.memory_space<hbm>> -> memref<40000x128xf32, #tpu.memory_space<hbm>>
        tpu.wait_indirect_dma semaphore(%run_scoped3A_57 : memref<!tpu.dma_semaphore, #tpu.memory_space<semaphore_mem>>) src(%dma_wait3A_67 : memref<40000x128xf32, #tpu.memory_space<hbm>>) dst(%arg9 : memref<128x128xf32, #tpu.memory_space<vmem>>)
        tpu.yield
      }) : () -> ()
      "tpu.region"() ({
        %run_scoped3A_57 = tpu.sem_alloc : memref<!tpu.dma_semaphore, #tpu.memory_space<semaphore_mem>>
        %dma_start3A = arith.constant 0 : i32
        %dma_start3A_58 = tpu.memref_slice %arg8[%scan3A_56, %dma_start3A] : memref<20x128xi32, #tpu.memory_space<vmem>> -> memref<1x128xi32, #tpu.memory_space<vmem>>
        %dma_start3A_59 = tpu.memref_squeeze %dma_start3A_58 : memref<1x128xi32, #tpu.memory_space<vmem>> -> memref<128xi32, #tpu.memory_space<vmem>>
        %dma_start3A_60 = arith.constant 0 : i32
        %dma_start3A_61 = arith.constant 0 : i32
        %dma_start3A_62 = tpu.memref_slice %arg10[%dma_start3A_60, %dma_start3A_61] : memref<10240x128xf32, #tpu.memory_space<vmem_shared>> -> memref<10240x128xf32, #tpu.memory_space<vmem_shared>>
        tpu.enqueue_indirect_dma source(%arg9 : memref<128x128xf32, #tpu.memory_space<vmem>>) target(%dma_start3A_62 : memref<10240x128xf32, #tpu.memory_space<vmem_shared>>) offsets(%dma_start3A_59 : memref<128xi32, #tpu.memory_space<vmem>>) semaphore(%run_scoped3A_57 : memref<!tpu.dma_semaphore, #tpu.memory_space<semaphore_mem>>) {add = true}
        %dma_wait3A = arith.constant 0 : i32
        %dma_wait3A_63 = tpu.memref_slice %arg8[%scan3A_56, %dma_wait3A] : memref<20x128xi32, #tpu.memory_space<vmem>> -> memref<1x128xi32, #tpu.memory_space<vmem>>
        %dma_wait3A_64 = tpu.memref_squeeze %dma_wait3A_63 : memref<1x128xi32, #tpu.memory_space<vmem>> -> memref<128xi32, #tpu.memory_space<vmem>>
        %dma_wait3A_65 = arith.constant 0 : i32
        %dma_wait3A_66 = arith.constant 0 : i32
        %dma_wait3A_67 = tpu.memref_slice %arg10[%dma_wait3A_65, %dma_wait3A_66] : memref<10240x128xf32, #tpu.memory_space<vmem_shared>> -> memref<10240x128xf32, #tpu.memory_space<vmem_shared>>
        tpu.wait_indirect_dma semaphore(%run_scoped3A_57 : memref<!tpu.dma_semaphore, #tpu.memory_space<semaphore_mem>>) src(%arg9 : memref<128x128xf32, #tpu.memory_space<vmem>>) dst(%dma_wait3A_67 : memref<10240x128xf32, #tpu.memory_space<vmem_shared>>)
        tpu.yield
      }) : () -> ()
    }
    %scan3A_49 = arith.constant 20 : i32
    %barrier3A_50 = arith.constant 0 : index
    tpu.barrier barrier_id(%barrier3A_50)
    %add3A_51 = arith.constant 6 : i32
    %add3A_52 = arith.addi %add3A_51, %arg0 : i32
    %mul3A_53 = arith.constant 10240 : i32
    %mul3A_54 = arith.muli %add3A_52, %mul3A_53 : i32
    %add3A_55 = arith.addi %mul3A_54, %mul3A_2 : i32
    "tpu.region"() ({
      %run_scoped3A_56 = tpu.sem_alloc : memref<!tpu.dma_semaphore, #tpu.memory_space<semaphore_mem>>
      %dma_start3A = arith.constant 0 : i32
      %dma_start3A_57 = tpu.memref_slice %arg6[%add3A_55, %dma_start3A] : memref<81920x128xf32, #tpu.memory_space<hbm>> -> memref<640x128xf32, #tpu.memory_space<hbm>>
      %dma_start3A_58 = arith.constant 0 : i32
      %dma_start3A_59 = tpu.memref_slice %arg10[%mul3A_2, %dma_start3A_58] : memref<10240x128xf32, #tpu.memory_space<vmem_shared>> -> memref<640x128xf32, #tpu.memory_space<vmem_shared>>
      tpu.enqueue_dma source(%dma_start3A_59 : memref<640x128xf32, #tpu.memory_space<vmem_shared>>) target(%dma_start3A_57 : memref<640x128xf32, #tpu.memory_space<hbm>>) target_semaphore(%run_scoped3A_56 : memref<!tpu.dma_semaphore, #tpu.memory_space<semaphore_mem>>)
      %dma_wait3A = arith.constant 0 : i32
      %dma_wait3A_60 = tpu.memref_slice %arg6[%add3A_55, %dma_wait3A] : memref<81920x128xf32, #tpu.memory_space<hbm>> -> memref<640x128xf32, #tpu.memory_space<hbm>>
      %dma_wait3A_61 = arith.constant 0 : i32
      %dma_wait3A_62 = tpu.memref_slice %arg10[%mul3A_2, %dma_wait3A_61] : memref<10240x128xf32, #tpu.memory_space<vmem_shared>> -> memref<640x128xf32, #tpu.memory_space<vmem_shared>>
      tpu.wait_dma2 semaphore(%run_scoped3A_56 : memref<!tpu.dma_semaphore, #tpu.memory_space<semaphore_mem>>) src(%dma_wait3A_62 : memref<640x128xf32, #tpu.memory_space<vmem_shared>>) dst(%dma_wait3A_60 : memref<640x128xf32, #tpu.memory_space<hbm>>)
      tpu.yield
    }) : () -> ()
    return
  }
}

module attributes {stable_mosaic.version = 14 : i64} {
  func.func @_dense_body(%arg0: i32, %arg1: i32, %arg2: memref<1x2x1000x128xf32, #tpu.memory_space<vmem>>, %arg3: memref<1000x512xf32, #tpu.memory_space<vmem>>, %arg4: memref<1x128x512xf32, #tpu.memory_space<vmem>>, %arg5: memref<512x512xf32, #tpu.memory_space<vmem>>, %arg6: memref<512x512xf32, #tpu.memory_space<vmem>>, %arg7: memref<1x512xf32, #tpu.memory_space<vmem>>, %arg8: memref<1x512xf32, #tpu.memory_space<vmem>>, %arg9: memref<1000x512xf32, #tpu.memory_space<vmem>>, %arg10: memref<8x512xf32, #tpu.memory_space<vmem>>) attributes {dimension_semantics = [#tpu.dimension_semantics<arbitrary>, #tpu.dimension_semantics<arbitrary>], iteration_bounds = array<i64: 10, 4>, scalar_prefetch = 0 : i64, scratch_operands = 0 : i64, tpu.core_type = #tpu.core_type<tc>, window_params = [{transform_indices = @transform_0, window_bounds = array<i64: 1, 2, 1000, 128>}, {transform_indices = @transform_1, window_bounds = array<i64: 1000, 512>}, {transform_indices = @transform_2, window_bounds = array<i64: 1, 128, 512>}, {pipeline_mode = #tpu.pipeline_mode<synchronous>, transform_indices = @transform_3, window_bounds = array<i64: 512, 512>}, {pipeline_mode = #tpu.pipeline_mode<synchronous>, transform_indices = @transform_4, window_bounds = array<i64: 512, 512>}, {pipeline_mode = #tpu.pipeline_mode<synchronous>, transform_indices = @transform_5, window_bounds = array<i64: 1, 512>}, {pipeline_mode = #tpu.pipeline_mode<synchronous>, transform_indices = @transform_6, window_bounds = array<i64: 1, 512>}, {transform_indices = @transform_7, window_bounds = array<i64: 1000, 512>}, {pipeline_mode = #tpu.pipeline_mode<synchronous>, transform_indices = @transform_8, window_bounds = array<i64: 8, 512>}]} {
    %get3A = arith.constant 0 : index
    %get3A_0 = arith.constant 0 : index
    %get3A_1 = arith.constant 0 : index
    %get3A_2 = arith.constant 0 : index
    %get3A_3 = vector.load %arg2[%get3A, %get3A_0, %get3A_1, %get3A_2] : memref<1x2x1000x128xf32, #tpu.memory_space<vmem>>, vector<1x1x1000x128xf32>
    %get3A_4 = vector.shape_cast %get3A_3 : vector<1x1x1000x128xf32> to vector<1000x128xf32>
    %get3A_5 = arith.constant 0 : index
    %get3A_6 = arith.constant 1 : index
    %get3A_7 = arith.constant 0 : index
    %get3A_8 = arith.constant 0 : index
    %get3A_9 = vector.load %arg2[%get3A_5, %get3A_6, %get3A_7, %get3A_8] : memref<1x2x1000x128xf32, #tpu.memory_space<vmem>>, vector<1x1x1000x128xf32>
    %get3A_10 = vector.shape_cast %get3A_9 : vector<1x1x1000x128xf32> to vector<1000x128xf32>
    %add3A = arith.addf %get3A_4, %get3A_10 : vector<1000x128xf32>
    %get3A_11 = arith.constant 0 : index
    %get3A_12 = arith.constant 0 : index
    %get3A_13 = arith.constant 0 : index
    %get3A_14 = vector.load %arg4[%get3A_11, %get3A_12, %get3A_13] : memref<1x128x512xf32, #tpu.memory_space<vmem>>, vector<1x128x512xf32>
    %get3A_15 = vector.shape_cast %get3A_14 : vector<1x128x512xf32> to vector<128x512xf32>
    %dot_general3A = arith.constant dense<0.000000e+00> : vector<1000x512xf32>
    %dot_general3A_16 = tpu.matmul %add3A, %get3A_15, %dot_general3A {dimension_numbers = #tpu.dot_dimension_numbers<[1], [0], [0], [1], [0, 0, 1, 1], [], []>, transpose_lhs_hint = false} : vector<1000x128xf32>, vector<128x512xf32>, vector<1000x512xf32> -> vector<1000x512xf32>
    %eq3A = arith.constant 0 : i32
    %eq3A_17 = arith.cmpi eq, %arg1, %eq3A : i32
    %convert_element_type3A = arith.extui %eq3A_17 : i1 to i32
    %cond3A = arith.constant 0 : i32
    %cond3A_18 = arith.cmpi ne, %convert_element_type3A, %cond3A : i32
    scf.if %cond3A_18 {
      %swap3A = arith.constant 0 : index
      %swap3A_28 = arith.constant 0 : index
      %swap3A_29 = vector.load %arg9[%swap3A, %swap3A_28] : memref<1000x512xf32, #tpu.memory_space<vmem>>, vector<1000x512xf32>
      tpu.vector_store %arg9[%swap3A, %swap3A_28], %dot_general3A_16 {strides = array<i32>} : memref<1000x512xf32, #tpu.memory_space<vmem>>, vector<1000x512xf32>,
    } else {
    }
    %gt3A = arith.constant 0 : i32
    %gt3A_19 = arith.cmpi sgt, %arg1, %gt3A : i32
    %convert_element_type3A_20 = arith.extui %gt3A_19 : i1 to i32
    %cond3A_21 = arith.constant 0 : i32
    %cond3A_22 = arith.cmpi ne, %convert_element_type3A_20, %cond3A_21 : i32
    scf.if %cond3A_22 {
      %get3A_28 = arith.constant 0 : index
      %get3A_29 = arith.constant 0 : index
      %get3A_30 = vector.load %arg9[%get3A_28, %get3A_29] : memref<1000x512xf32, #tpu.memory_space<vmem>>, vector<1000x512xf32>
      %add3A_31 = arith.addf %get3A_30, %dot_general3A_16 : vector<1000x512xf32>
      %swap3A = arith.constant 0 : index
      %swap3A_32 = arith.constant 0 : index
      %swap3A_33 = vector.load %arg9[%swap3A, %swap3A_32] : memref<1000x512xf32, #tpu.memory_space<vmem>>, vector<1000x512xf32>
      tpu.vector_store %arg9[%swap3A, %swap3A_32], %add3A_31 {strides = array<i32>} : memref<1000x512xf32, #tpu.memory_space<vmem>>, vector<1000x512xf32>,
    } else {
    }
    %eq3A_23 = arith.constant 3 : i32
    %eq3A_24 = arith.cmpi eq, %arg1, %eq3A_23 : i32
    %convert_element_type3A_25 = arith.extui %eq3A_24 : i1 to i32
    %cond3A_26 = arith.constant 0 : i32
    %cond3A_27 = arith.cmpi ne, %convert_element_type3A_25, %cond3A_26 : i32
    scf.if %cond3A_27 {
      %get3A_28 = arith.constant 0 : index
      %get3A_29 = arith.constant 0 : index
      %get3A_30 = vector.load %arg3[%get3A_28, %get3A_29] : memref<1000x512xf32, #tpu.memory_space<vmem>>, vector<1000x512xf32>
      %get3A_31 = arith.constant 0 : index
      %get3A_32 = arith.constant 0 : index
      %get3A_33 = vector.load %arg9[%get3A_31, %get3A_32] : memref<1000x512xf32, #tpu.memory_space<vmem>>, vector<1000x512xf32>
      %get3A_34 = arith.constant 0 : index
      %get3A_35 = arith.constant 0 : index
      %get3A_36 = vector.load %arg5[%get3A_34, %get3A_35] : memref<512x512xf32, #tpu.memory_space<vmem>>, vector<512x512xf32>
      %dot_general3A_37 = arith.constant dense<0.000000e+00> : vector<1000x512xf32>
      %dot_general3A_38 = tpu.matmul %get3A_30, %get3A_36, %dot_general3A_37 {dimension_numbers = #tpu.dot_dimension_numbers<[1], [0], [0], [1], [0, 0, 1, 1], [], []>, transpose_lhs_hint = false} : vector<1000x512xf32>, vector<512x512xf32>, vector<1000x512xf32> -> vector<1000x512xf32>
      %add3A_39 = arith.addf %get3A_33, %dot_general3A_38 : vector<1000x512xf32>
      %get3A_40 = arith.constant 0 : index
      %get3A_41 = arith.constant 0 : index
      %get3A_42 = vector.load %arg7[%get3A_40, %get3A_41] : memref<1x512xf32, #tpu.memory_space<vmem>>, vector<1x512xf32>
      %add3A_43 = vector.broadcast %get3A_42 : vector<1x512xf32> to vector<1000x512xf32>
      %add3A_44 = arith.addf %add3A_39, %add3A_43 : vector<1000x512xf32>
      %get3A_45 = arith.constant 0 : index
      %get3A_46 = arith.constant 0 : index
      %get3A_47 = vector.load %arg6[%get3A_45, %get3A_46] : memref<512x512xf32, #tpu.memory_space<vmem>>, vector<512x512xf32>
      %dot_general3A_48 = arith.constant dense<0.000000e+00> : vector<1000x512xf32>
      %dot_general3A_49 = tpu.matmul %get3A_30, %get3A_47, %dot_general3A_48 {dimension_numbers = #tpu.dot_dimension_numbers<[1], [0], [0], [1], [0, 0, 1, 1], [], []>, transpose_lhs_hint = false} : vector<1000x512xf32>, vector<512x512xf32>, vector<1000x512xf32> -> vector<1000x512xf32>
      %get3A_50 = arith.constant 0 : index
      %get3A_51 = arith.constant 0 : index
      %get3A_52 = vector.load %arg8[%get3A_50, %get3A_51] : memref<1x512xf32, #tpu.memory_space<vmem>>, vector<1x512xf32>
      %add3A_53 = vector.broadcast %get3A_52 : vector<1x512xf32> to vector<1000x512xf32>
      %add3A_54 = arith.addf %dot_general3A_49, %add3A_53 : vector<1000x512xf32>
      %max3A = arith.constant 0.000000e+00 : f32
      %max3A_55 = vector.broadcast %max3A : f32 to vector<1000x512xf32>
      %max3A_56 = arith.maximumf %add3A_54, %max3A_55 : vector<1000x512xf32>
      %max3A_57 = arith.constant 0.000000e+00 : f32
      %max3A_58 = vector.broadcast %max3A_57 : f32 to vector<1000x512xf32>
      %max3A_59 = arith.maximumf %add3A_44, %max3A_58 : vector<1000x512xf32>
      %add3A_60 = arith.addf %max3A_59, %max3A_56 : vector<1000x512xf32>
      %swap3A = arith.constant 0 : index
      %swap3A_61 = arith.constant 0 : index
      %swap3A_62 = vector.load %arg9[%swap3A, %swap3A_61] : memref<1000x512xf32, #tpu.memory_space<vmem>>, vector<1000x512xf32>
      tpu.vector_store %arg9[%swap3A, %swap3A_61], %add3A_60 {strides = array<i32>} : memref<1000x512xf32, #tpu.memory_space<vmem>>, vector<1000x512xf32>,
      %reduce_sum3A = arith.constant dense<0.000000e+00> : vector<512xf32>
      %reduce_sum3A_63 = vector.multi_reduction <add>, %add3A_60, %reduce_sum3A [0] : vector<1000x512xf32> to vector<512xf32>
      %broadcast_in_dim3A = vector.shape_cast %reduce_sum3A_63 : vector<512xf32> to vector<1x512xf32>
      %mul3A = arith.mulf %add3A_60, %add3A_60 : vector<1000x512xf32>
      %reduce_sum3A_64 = arith.constant dense<0.000000e+00> : vector<512xf32>
      %reduce_sum3A_65 = vector.multi_reduction <add>, %mul3A, %reduce_sum3A_64 [0] : vector<1000x512xf32> to vector<512xf32>
      %broadcast_in_dim3A_66 = vector.shape_cast %reduce_sum3A_65 : vector<512xf32> to vector<1x512xf32>
      %broadcast_in_dim3A_67 = arith.constant 0.000000e+00 : f32
      %broadcast_in_dim3A_68 = vector.broadcast %broadcast_in_dim3A_67 : f32 to vector<6x512xf32>
      %concatenate3A = tpu.concatenate %broadcast_in_dim3A, %broadcast_in_dim3A_66, %broadcast_in_dim3A_68 in 0 : vector<1x512xf32>, vector<1x512xf32>, vector<6x512xf32> -> vector<8x512xf32>
      %eq3A_69 = arith.constant 0 : i32
      %eq3A_70 = arith.cmpi eq, %arg0, %eq3A_69 : i32
      %convert_element_type3A_71 = arith.extui %eq3A_70 : i1 to i32
      %cond3A_72 = arith.constant 0 : i32
      %cond3A_73 = arith.cmpi ne, %convert_element_type3A_71, %cond3A_72 : i32
      scf.if %cond3A_73 {
        %swap3A_79 = arith.constant 0 : index
        %swap3A_80 = arith.constant 0 : index
        %swap3A_81 = vector.load %arg10[%swap3A_79, %swap3A_80] : memref<8x512xf32, #tpu.memory_space<vmem>>, vector<8x512xf32>
        tpu.vector_store %arg10[%swap3A_79, %swap3A_80], %concatenate3A {strides = array<i32>} : memref<8x512xf32, #tpu.memory_space<vmem>>, vector<8x512xf32>,
      } else {
      }
      %gt3A_74 = arith.constant 0 : i32
      %gt3A_75 = arith.cmpi sgt, %arg0, %gt3A_74 : i32
      %convert_element_type3A_76 = arith.extui %gt3A_75 : i1 to i32
      %cond3A_77 = arith.constant 0 : i32
      %cond3A_78 = arith.cmpi ne, %convert_element_type3A_76, %cond3A_77 : i32
      scf.if %cond3A_78 {
        %get3A_79 = arith.constant 0 : index
        %get3A_80 = arith.constant 0 : index
        %get3A_81 = vector.load %arg10[%get3A_79, %get3A_80] : memref<8x512xf32, #tpu.memory_space<vmem>>, vector<8x512xf32>
        %add3A_82 = arith.addf %get3A_81, %concatenate3A : vector<8x512xf32>
        %swap3A_83 = arith.constant 0 : index
        %swap3A_84 = arith.constant 0 : index
        %swap3A_85 = vector.load %arg10[%swap3A_83, %swap3A_84] : memref<8x512xf32, #tpu.memory_space<vmem>>, vector<8x512xf32>
        tpu.vector_store %arg10[%swap3A_83, %swap3A_84], %add3A_82 {strides = array<i32>} : memref<8x512xf32, #tpu.memory_space<vmem>>, vector<8x512xf32>,
      } else {
      }
    } else {
    }
    return
  }
  func.func @transform_0(%arg0: i32, %arg1: i32) -> (i32, i32, i32, i32) {
    %c0_i32 = arith.constant 0 : i32
    %c0_i32_0 = arith.constant 0 : i32
    %c0_i32_1 = arith.constant 0 : i32
    return %arg1, %c0_i32, %arg0, %c0_i32_0 : i32, i32, i32, i32
  }
  func.func @transform_1(%arg0: i32, %arg1: i32) -> (i32, i32) {
    %c0_i32 = arith.constant 0 : i32
    %c0_i32_0 = arith.constant 0 : i32
    return %arg0, %c0_i32 : i32, i32
  }
  func.func @transform_2(%arg0: i32, %arg1: i32) -> (i32, i32, i32) {
    %c0_i32 = arith.constant 0 : i32
    %c0_i32_0 = arith.constant 0 : i32
    %c0_i32_1 = arith.constant 0 : i32
    return %arg1, %c0_i32, %c0_i32_0 : i32, i32, i32
  }
  func.func @transform_3(%arg0: i32, %arg1: i32) -> (i32, i32) {
    %c0_i32 = arith.constant 0 : i32
    %c0_i32_0 = arith.constant 0 : i32
    %c0_i32_1 = arith.constant 0 : i32
    return %c0_i32, %c0_i32_0 : i32, i32
  }
  func.func @transform_4(%arg0: i32, %arg1: i32) -> (i32, i32) {
    %c0_i32 = arith.constant 0 : i32
    %c0_i32_0 = arith.constant 0 : i32
    %c0_i32_1 = arith.constant 0 : i32
    return %c0_i32, %c0_i32_0 : i32, i32
  }
  func.func @transform_5(%arg0: i32, %arg1: i32) -> (i32, i32) {
    %c0_i32 = arith.constant 0 : i32
    %c0_i32_0 = arith.constant 0 : i32
    %c0_i32_1 = arith.constant 0 : i32
    return %c0_i32, %c0_i32_0 : i32, i32
  }
  func.func @transform_6(%arg0: i32, %arg1: i32) -> (i32, i32) {
    %c0_i32 = arith.constant 0 : i32
    %c0_i32_0 = arith.constant 0 : i32
    %c0_i32_1 = arith.constant 0 : i32
    return %c0_i32, %c0_i32_0 : i32, i32
  }
  func.func @transform_7(%arg0: i32, %arg1: i32) -> (i32, i32) {
    %c0_i32 = arith.constant 0 : i32
    %c0_i32_0 = arith.constant 0 : i32
    return %arg0, %c0_i32 : i32, i32
  }
  func.func @transform_8(%arg0: i32, %arg1: i32) -> (i32, i32) {
    %c0_i32 = arith.constant 0 : i32
    %c0_i32_0 = arith.constant 0 : i32
    %c0_i32_1 = arith.constant 0 : i32
    return %c0_i32, %c0_i32_0 : i32, i32
  }
}

module attributes {stable_mosaic.version = 14 : i64} {
  func.func @_bn_body(%arg0: i32, %arg1: memref<1000x512xf32, #tpu.memory_space<vmem>>, %arg2: memref<8x512xf32, #tpu.memory_space<vmem>>, %arg3: memref<1x512xf32, #tpu.memory_space<vmem>>, %arg4: memref<1x512xf32, #tpu.memory_space<vmem>>, %arg5: memref<1000x512xf32, #tpu.memory_space<vmem>>) attributes {dimension_semantics = [#tpu.dimension_semantics<arbitrary>], iteration_bounds = array<i64: 10>, scalar_prefetch = 0 : i64, scratch_operands = 0 : i64, tpu.core_type = #tpu.core_type<tc>, window_params = [{transform_indices = @transform_0, window_bounds = array<i64: 1000, 512>}, {pipeline_mode = #tpu.pipeline_mode<synchronous>, transform_indices = @transform_1, window_bounds = array<i64: 8, 512>}, {pipeline_mode = #tpu.pipeline_mode<synchronous>, transform_indices = @transform_2, window_bounds = array<i64: 1, 512>}, {pipeline_mode = #tpu.pipeline_mode<synchronous>, transform_indices = @transform_3, window_bounds = array<i64: 1, 512>}, {transform_indices = @transform_4, window_bounds = array<i64: 1000, 512>}]} {
    %get3A = arith.constant 0 : index
    %get3A_0 = arith.constant 0 : index
    %get3A_1 = vector.load %arg2[%get3A, %get3A_0] : memref<8x512xf32, #tpu.memory_space<vmem>>, vector<1x512xf32>
    %mul3A = arith.constant 9.99999974E-5 : f32
    %mul3A_2 = vector.broadcast %mul3A : f32 to vector<1x512xf32>
    %mul3A_3 = arith.mulf %get3A_1, %mul3A_2 : vector<1x512xf32>
    %get3A_4 = arith.constant 1 : index
    %get3A_5 = arith.constant 0 : index
    %get3A_6 = vector.load %arg2[%get3A_4, %get3A_5] : memref<8x512xf32, #tpu.memory_space<vmem>>, vector<1x512xf32>
    %mul3A_7 = arith.constant 9.99999974E-5 : f32
    %mul3A_8 = vector.broadcast %mul3A_7 : f32 to vector<1x512xf32>
    %mul3A_9 = arith.mulf %get3A_6, %mul3A_8 : vector<1x512xf32>
    %mul3A_10 = arith.mulf %mul3A_3, %mul3A_3 : vector<1x512xf32>
    %sub3A = arith.subf %mul3A_9, %mul3A_10 : vector<1x512xf32>
    %add3A = arith.constant 9.99999974E-6 : f32
    %add3A_11 = vector.broadcast %add3A : f32 to vector<1x512xf32>
    %add3A_12 = arith.addf %sub3A, %add3A_11 : vector<1x512xf32>
    %rsqrt3A = math.rsqrt %add3A_12 : vector<1x512xf32>
    %get3A_13 = arith.constant 0 : index
    %get3A_14 = arith.constant 0 : index
    %get3A_15 = vector.load %arg1[%get3A_13, %get3A_14] : memref<1000x512xf32, #tpu.memory_space<vmem>>, vector<1000x512xf32>
    %sub3A_16 = vector.broadcast %mul3A_3 : vector<1x512xf32> to vector<1000x512xf32>
    %sub3A_17 = arith.subf %get3A_15, %sub3A_16 : vector<1000x512xf32>
    %mul3A_18 = vector.broadcast %rsqrt3A : vector<1x512xf32> to vector<1000x512xf32>
    %mul3A_19 = arith.mulf %sub3A_17, %mul3A_18 : vector<1000x512xf32>
    %get3A_20 = arith.constant 0 : index
    %get3A_21 = arith.constant 0 : index
    %get3A_22 = vector.load %arg3[%get3A_20, %get3A_21] : memref<1x512xf32, #tpu.memory_space<vmem>>, vector<1x512xf32>
    %mul3A_23 = vector.broadcast %get3A_22 : vector<1x512xf32> to vector<1000x512xf32>
    %mul3A_24 = arith.mulf %mul3A_19, %mul3A_23 : vector<1000x512xf32>
    %get3A_25 = arith.constant 0 : index
    %get3A_26 = arith.constant 0 : index
    %get3A_27 = vector.load %arg4[%get3A_25, %get3A_26] : memref<1x512xf32, #tpu.memory_space<vmem>>, vector<1x512xf32>
    %add3A_28 = vector.broadcast %get3A_27 : vector<1x512xf32> to vector<1000x512xf32>
    %add3A_29 = arith.addf %mul3A_24, %add3A_28 : vector<1000x512xf32>
    %swap3A = arith.constant 0 : index
    %swap3A_30 = arith.constant 0 : index
    %swap3A_31 = vector.load %arg5[%swap3A, %swap3A_30] : memref<1000x512xf32, #tpu.memory_space<vmem>>, vector<1000x512xf32>
    tpu.vector_store %arg5[%swap3A, %swap3A_30], %add3A_29 {strides = array<i32>} : memref<1000x512xf32, #tpu.memory_space<vmem>>, vector<1000x512xf32>,
    return
  }
  func.func @transform_0(%arg0: i32) -> (i32, i32) {
    %c0_i32 = arith.constant 0 : i32
    %c0_i32_0 = arith.constant 0 : i32
    return %arg0, %c0_i32 : i32, i32
  }
  func.func @transform_1(%arg0: i32) -> (i32, i32) {
    %c0_i32 = arith.constant 0 : i32
    %c0_i32_0 = arith.constant 0 : i32
    %c0_i32_1 = arith.constant 0 : i32
    return %c0_i32, %c0_i32_0 : i32, i32
  }
  func.func @transform_2(%arg0: i32) -> (i32, i32) {
    %c0_i32 = arith.constant 0 : i32
    %c0_i32_0 = arith.constant 0 : i32
    %c0_i32_1 = arith.constant 0 : i32
    return %c0_i32, %c0_i32_0 : i32, i32
  }
  func.func @transform_3(%arg0: i32) -> (i32, i32) {
    %c0_i32 = arith.constant 0 : i32
    %c0_i32_0 = arith.constant 0 : i32
    %c0_i32_1 = arith.constant 0 : i32
    return %c0_i32, %c0_i32_0 : i32, i32
  }
  func.func @transform_4(%arg0: i32) -> (i32, i32) {
    %c0_i32 = arith.constant 0 : i32
    %c0_i32_0 = arith.constant 0 : i32
    return %arg0, %c0_i32 : i32, i32
  }
}

</mosaic_0001>

<sc_bundles>
// kernel: kernel.11.cloned.1.call-start
scs
__scs_entry_jumppad:
0x0: {  	(pc) =	sbr.rel $0x88, $3  }
0x1: {  	(tag) =	ssettag $0x0;
	lr =	simm.s32 $0x1  }
0x2: {  	[smem:$0x3F8F] =	sst lr;
	_ =	strace $0xD0000000  }
0x3: {  	_ = 	snop  }
0x4: {  	_ = 	snop  }
0x5: {  	_ = 	snop  }
0x6: {  	_ = 	snop  }
0x7: {  	_ = 	snop  }
__scs_overlays_trampoline_lowered:
0x8: {  	[smem:$0x3F9E] =	sst s0  }
0x9: {  	[smem:$0x3F9F] =	sst s1  }
0xa: {  	[smem:$0x3FA0] =	sst s2  }
0xb: {  	[smem:$0x3FA1] =	sst s3  }
0xc: {  	[smem:$0x3FA2] =	sst s4  }
0xd: {  	[smem:$0x3FA3] =	sst s5  }
0xe: {  	[smem:$0x3FA4] =	sst s6  }
0xf: {  	[smem:$0x3FA5] =	sst s7  }
0x10: {  	[smem:$0x3FA6] =	sst s8  }
0x11: {  	[smem:$0x3FA7] =	sst s9;
	s0 =	simm.s32 @!p0 $0x0  }
0x12: {  	s1 =	sld [smem:$0x3F8D];
	s0 =	simm.s32 @p0 $0x1  }
0x13: {  	[smem:$0x3FA8] =	sst s0;
	s0 =	simm.s32 @!p1 $0x0  }
0x14: {  	s2 =	sld [smem:$0x3F8C];
	s0 =	simm.s32 @p1 $0x1  }
0x15: {  	[smem:$0x3FA9] =	sst s0;
	s0 =	simm.s32 @!p2 $0x0  }
0x16: {  	s3 =	sld [smem:$0x3FDB];
	s0 =	simm.s32 @p2 $0x1  }
0x17: {  	s4 =	simm.s32 $0x1BF5;
	[smem:$0x3FAB] =	sst s0  }
0x18: {  	s0 =	sld [smem:$0x3F8E];
	_ =	swait.ge [sflag:s4], $0x0  }
0x19: {  	s7 =	sld [smem:$0x3F8F]  }
0x1a: {  	s8 =	sadd.s32 $0xFFFFE003, lr  }
0x1b: {  	s9 =	sadd.s32 $0xFFFFFEF7, lr;
	s5 =	simm.s32 $0xFFFFFFFF;
	p2 =	slt.u32 s8, $0xFFFFF086  }
0x1c: {  	p1 =	slt.u32 s9, $0xF7A;
	s5 =	simm.s32 @!p2 $0x0  }
0x1d: {  	s5 =	simm.s32 @p1 $0x1;
	p0 =	seq.s32 s7, s2  }
0x1e: {  	s7 =	smul.u32 @!p0 $0xF7A, s2;
	p2 =	seq.s32 @!p0 s5, $0x0  }
0x1f: {  	s9 =	smul.u32 $0xF7A, s1;
	s8 =	simm.s32 @!p0 $0x1BF5;
	p2 =	por !p2, p0  }
0x20: {  	[sflag:s8] =	ssyncset.s32 @!p0 $0xFFFFF086;
	s6 =	sadd.s32 @!p0 s3, s7;
	s7 =	simm.s32 @!p0 $0x108  }
0x21: {  	s3 =	sadd.s32 s3, s9;
	s6 =	sadd.s32 @!p0 $0x88, s6;
	s7 =	simm.s32 @p2 $0x1082  }
0x22: {  	[simem:s7], [sflag:s8] =	dma.local @!p0 [hbm:s6], $0xF7A  }
0x23: {  	s9 =	sor.u32 $0xD0000000, s2;
	s6 =	simm.s32 $0x108;
	_ =	swait.ge @!p0 [sflag:s8], $0x0  }
0x24: {  	s3 =	sadd.s32 $0x88, s3;
	s6 =	simm.s32 @!p1 $0x1082;
	[sflag:s4] =	ssyncset.s32 $0xFFFFF086  }
0x25: {  	[simem:s6], [sflag:s4] =	dma.local [hbm:s3], $0xF7A  }
0x26: {  	[smem:$0x3F8F] =	sst s1;
	(tag) =	ssettag s2;
	_ =	strace s9  }
0x27: {  	s1 =	sld [smem:$0x3F9F]  }
0x28: {  	s2 =	sld [smem:$0x3FA0]  }
0x29: {  	s4 =	sld [smem:$0x3FA2]  }
0x2a: {  	p0 =	seq.s32 s5, $0x0;
	s5 =	sld [smem:$0x3FA3]  }
0x2b: {  	s6 =	sld [smem:$0x3FA4]  }
0x2c: {  	s7 =	sld [smem:$0x3FA5]  }
0x2d: {  	s3 =	simm.s32 $0x108;
	s8 =	sld [smem:$0x3FA6]  }
0x2e: {  	s3 =	simm.s32 @!p0 $0x1082;
	s9 =	sld [smem:$0x3FA7]  }
0x2f: {  	lr =	sadd.s32 s0, s3;
	s0 =	sld [smem:$0x3F9E]  }
0x30: {  	s3 =	sld [smem:$0x3FA1]  }
0x31: {  	[smem:$0x3FAA] =	sst s10  }
0x32: {  	s10 =	sld [smem:$0x3FA8];
	_ =	sdelay $0x3  }
0x33: {  	p0 =	seq.s32 s10, $0x1;
	s10 =	sld [smem:$0x3FAA];
	_ =	sdelay $0x3  }
0x34: {  	[smem:$0x3FAA] =	sst s10  }
0x35: {  	s10 =	sld [smem:$0x3FA9];
	_ =	sdelay $0x3  }
0x36: {  	p1 =	seq.s32 s10, $0x1;
	s10 =	sld [smem:$0x3FAA];
	_ =	sdelay $0x3  }
0x37: {  	[smem:$0x3FAA] =	sst s10  }
0x38: {  	s10 =	sld [smem:$0x3FAB]  }
0x39: {  	_ = 	snop;
	(pc) =	sbr.ind lr, $3  }
0x3a: {  	_ = 	snop  }
0x3b: {  	_ = 	snop  }
0x3c: {  	p2 =	seq.s32 s10, $0x1;
	s10 =	sld [smem:$0x3FAA]  }
0x3d: {  	_ =	shalt  }
0x3e: {  	_ =	shalt  }
0x3f: {  	_ =	shalt  }
0x40: {  	_ =	shalt  }
0x41: {  	_ =	shalt  }
0x42: {  	_ =	shalt  }
0x43: {  	_ =	shalt  }
0x44: {  	_ =	shalt  }
0x45: {  	_ =	shalt  }
0x46: {  	_ =	shalt  }
0x47: {  	_ =	shalt  }
0x48: {  	_ =	shalt  }
0x49: {  	_ =	shalt  }
0x4a: {  	_ =	shalt  }
0x4b: {  	_ =	shalt  }
0x4c: {  	_ =	shalt  }
0x4d: {  	_ =	shalt  }
0x4e: {  	_ =	shalt  }
0x4f: {  	_ =	shalt  }
0x50: {  	_ =	shalt  }
0x51: {  	_ =	shalt  }
0x52: {  	_ =	shalt  }
0x53: {  	_ =	shalt  }
0x54: {  	_ =	shalt  }
0x55: {  	_ =	shalt  }
0x56: {  	_ =	shalt  }
0x57: {  	_ =	shalt  }
0x58: {  	_ =	shalt  }
0x59: {  	_ =	shalt  }
0x5a: {  	_ =	shalt  }
0x5b: {  	_ =	shalt  }
0x5c: {  	_ =	shalt  }
0x5d: {  	_ =	shalt  }
0x5e: {  	_ =	shalt  }
0x5f: {  	_ =	shalt  }
0x60: {  	_ =	shalt  }
0x61: {  	_ =	shalt  }
0x62: {  	_ =	shalt  }
0x63: {  	_ =	shalt  }
0x64: {  	_ =	shalt  }
0x65: {  	_ =	shalt  }
0x66: {  	_ =	shalt  }
0x67: {  	_ =	shalt  }
0x68: {  	_ =	shalt  }
0x69: {  	_ =	shalt  }
0x6a: {  	_ =	shalt  }
0x6b: {  	_ =	shalt  }
0x6c: {  	_ =	shalt  }
0x6d: {  	_ =	shalt  }
0x6e: {  	_ =	shalt  }
0x6f: {  	_ =	shalt  }
0x70: {  	_ =	shalt  }
0x71: {  	_ =	shalt  }
0x72: {  	_ =	shalt  }
0x73: {  	_ =	shalt  }
0x74: {  	_ =	shalt  }
0x75: {  	_ =	shalt  }
0x76: {  	_ =	shalt  }
0x77: {  	_ =	shalt  }
0x78: {  	_ =	shalt  }
0x79: {  	_ =	shalt  }
0x7a: {  	_ =	shalt  }
0x7b: {  	_ =	shalt  }
0x7c: {  	_ =	shalt  }
0x7d: {  	_ =	shalt  }
0x7e: {  	_ =	shalt  }
0x7f: {  	_ =	shalt  }
0x80: {  	_ =	shalt  }
0x81: {  	_ =	shalt  }
0x82: {  	_ =	shalt  }
0x83: {  	_ =	shalt  }
0x84: {  	_ =	shalt  }
0x85: {  	_ =	shalt  }
0x86: {  	_ =	shalt  }
0x87: {  	_ =	shalt  }
.Lfunc_end0:
.L_simem_size_0:
called_computation.1_lowered:
.L_overlay_start_0:
0x88: {  	s2 =	sld [smem:$0x3FD9]  }
0x89: {  	s3 =	sld [smem:$0x3FFE];
	_ =	sdelay $0x1  }
0x8a: {  	s1 =	srdreg.scid  }
0x8b: {  	s0 =	sand.u32 $0x1, s1  }
0x8c: {  	s15 =	sshll.u32 s0, $0xA;
	s2 =	sadd.s32 s3, s2  }
0x8d: {  	s2 =	sadd.s32 s2, s15  }
0x8e: {  	[smem:$0x3FB6] =	sst s2  }
0x8f: {  	_ = 	snop  }
0x90: {  	s2 =	sld [smem:$0x3FD0];
	_ =	sdelay $0x2  }
0x91: {  	s16 =	simm.s32 $0xB;
	s4 =	simm.s32 $0x10  }
0x92: {  	[smem:s4], [sflag:s16] =	dma.local [hbm:s2], $0x1  }
0x93: {  	_ =	swait.eq [sflag:s16], $0x1  }
0x94: {  	[sflag:s16] =	ssyncset.done $0x0  }
0x95: {  	[sflag:s16] =	ssyncadd.s32 $0xFFFFFFFF  }
0x96: {  	s17 =	sld [smem:$0x11];
	(tm) =	ssettm $0x1  }
0x97: {  	s18 =	sld [smem:$0x3FFB];
	_ =	sdelay $0x3  }
0x98: {  	_ =	strace s18  }
0x99: {  	s2 =	sld [smem:$0x3FFC];
	_ =	sdelay $0x3  }
0x9a: {  	_ =	strace s2  }
0x9b: {  	s2 =	sld [smem:$0x3FFD];
	_ =	sdelay $0x3  }
0x9c: {  	_ =	strace s2  }
0x9d: {  	_ =	strace $0x8FFFFFFF  }
0x9e: {  	s19 =	sld [smem:$0x3FDB];
	_ =	sdelay $0x1  }
0x9f: {  	s20 =	simm.s32 $_scs_section_size  }
0xa0: {  	s5 =	simm.s32 $_size__tile_overlayer_lowered;
	s6 =	simm.s32 $_tile_overlayer_lowered  }
0xa1: {  	s7 =	simm.s32 $0x1BFF;
	s21 =	sshll.u32 s6, $0x1;
	s4 =	sadd.s32 s20, s19  }
0xa2: {  	s22 =	simm.s32 $0x0;
	s5 =	sshll.u32 s5, $0x1;
	s6 =	sadd.s32 s21, s4  }
0xa3: {  	[timem:s22], [sflag:s7] =	dma.local [hbm:s6], s5  }
0xa4: {  	_ =	swait.ge [sflag:s7], s5  }
0xa5: {  	s5 =	ssub.s32 $0x0, s5;
	[sflag:s7] =	ssyncset.done $0x0  }
0xa6: {  	[sflag:s7] =	ssyncadd.s32 s5;
	_ =	sdelay $0x1  }
0xa7: {  	s23 =	simm.s32 $0x1B8B  }
0xa8: {  	_ =	swait.ge [sflag:s23], $0x1  }
0xa9: {  	[sflag:s23] =	ssyncset.done $0x0  }
0xaa: {  	[sflag:s23] =	ssyncadd.s32 $0xFFFFFFFF  }
0xab: {  	s5 =	sld [smem:$0x0]  }
0xac: {  	s6 =	sand.u32 $0xFFFFFFFE, s1  }
0xad: {  	p0 =	sne.s32 s1, s6  }
0xae: {  	s6 =	sshll.u32 @p0 s6, $0xE  }
0xaf: {  	s6 =	sadd.s32 @p0 $0x11B8D, s6;
	s7 =	sshll.u32 @p0 s5, $0x11  }
0xb0: {  	s6 =	sor.u32 @p0 s7, s6  }
0xb1: {  	[sflag:s6] =	ssyncadd.remote.s32 @p0 $0x1;
	_ =	sdelay $0x1  }
0xb2: {  	s6 =	simm.s32 @p0 $0x1B8D  }
0xb3: {  	_ =	swait.eq @p0 [sflag:s6], $0x1  }
0xb4: {  	[sflag:s6] =	ssyncadd.s32 @p0 $0xFFFFFFFF  }
0xb5: {  	s7 =	sshll.u32 @!p0 s1, $0xE  }
0xb6: {  	s7 =	sor.u32 @!p0 $0x4000, s7;
	s6 =	simm.s32 @!p0 $0x1B8D  }
0xb7: {  	s5 =	sshll.u32 @!p0 s5, $0x11;
	s7 =	sadd.s32 @!p0 $0x11B8D, s7;
	_ =	swait.eq @!p0 [sflag:s6], $0x1  }
0xb8: {  	s5 =	sor.u32 @!p0 s5, s7;
	[sflag:s6] =	ssyncadd.s32 @!p0 $0xFFFFFFFF  }
0xb9: {  	s25 =	simm.s32 $0x1B8E;
	s24 =	sld [smem:$0x3FFE];
	[sflag:s5] =	ssyncadd.remote.s32 @!p0 $0x1  }
0xba: {  	s26 =	simm.s32 $execute0_lowered;
	[smem:$0x3FD2] =	sst s25  }
0xbb: {  	s6 =	sshll.u32 s26, $0x1;
	_ =	strace $0x80000049;
	[dreg:$0x1] =	wrdreg $0xFFFFFFFF  }
0xbc: {  	s28 =	simm.s32 $_size_execute0_lowered;
	s4 =	sadd.s32 s4, s6;
	[dreg:$0x0] =	wrdreg $0x0  }
0xbd: {  	s6 =	sshll.u32 s28, $0x1;
	[dreg:$0x2] =	wrdreg s4  }
0xbe: {  	[dreg:$0x3] =	wrdreg s6  }
0xbf: {  	[dreg:$0x4] =	wrdreg $0xC0  }
0xc0: {  	_ =	task [dreg:s22], $0x5FFFF  }
0xc1: {  	[dreg:$0x1] =	wrdreg $0xFFFFFFFF  }
0xc2: {  	[dreg:$0x0] =	wrdreg $0x60  }
0xc3: {  	[dreg:$0x2] =	wrdreg s17  }
0xc4: {  	[dreg:$0x3] =	wrdreg s24  }
0xc5: {  	[dreg:$0x4] =	wrdreg $0x58000  }
0xc6: {  	[dreg:$0x5] =	wrdreg $0xA  }
0xc7: {  	_ =	task.clear_ibuf [dreg:s22], $0x6FFFF;
	_ =	strace $0x90000049  }
0xc8: {  	s29 =	simm.s32 $0xA;
	_ =	strace $0x8000004B  }
0xc9: {  	_ =	swait.ge [sflag:s29], $0x1  }
0xca: {  	[sflag:s29] =	ssyncadd.s32 $0xFFFFFFFF  }
0xcb: {  	_ =	strace $0x9000004B  }
0xcc: {  	_ =	sfence  }
0xcd: {  	s30 =	sld [smem:$0x0];
	_ =	sdelay $0x2  }
0xce: {  	s31 =	sshll.u32 s1, $0xD;
	s1 =	sshrl.u32 s1, $0x2  }
0xcf: {  	s4 =	sand.u32 $0x4000, s31;
	s1 =	sadd.s32 s1, s30  }
0xd0: {  	s0 =	sor.u32 s4, s0;
	s1 =	sshll.u32 s1, $0x11  }
0xd1: {  	s0 =	sor.u32 s1, s0  }
0xd2: {  	s0 =	sadd.s32 $0x8F2B, s0  }
0xd3: {  	[sflag:s0] =	ssyncadd.remote.s32 $0x1  }
0xd4: {  	_ =	sfence.sel $0xFFFF  }
0xd5: {  	[dreg:$0x0] =	wrdreg $0xFFFFFFFF;
	(pc) =	sbr.abs _section_cstart, $3  }
0xd6: {  	[dreg:$0x1] =	wrdreg $0xFFFFFFFF  }
0xd7: {  	_ =	task.clear_ibuf [dreg:s22], $0x2FFFF;
	_ =	strace $0x9FFFFFFF  }
0xd8: {  	(tm) =	ssettm $0x7FFFFFFF  }
0xd9: {  	_ =	shalt  }
tec
execute0_lowered:
.L_overlay_start_1:
0x0: {  	(tag) =	ssettag $0x1  }
0x1: {  	s2 =	rddreg [dreg:$0x0]  }
0x2: {  	s0 =	srdreg.scid;
	s6 =	rddreg [dreg:$0x1]  }
0x3: {  	s3 =	rddreg [dreg:$0x2];
	s4 =	simm.s32 $0x0;
	s16 =	simm.s32 $0xC00  }
0x4: {  	s17 =	simm.s32 $0x1;
	s5 =	sand.u32 $0x1, s0;
	s0 =	stileid.u32  }
0x5: {  	s20 =	simm.s32 $0x80;
	s21 =	simm.s32 $0x1800;
	s8 =	smul.u32 $0x280, s0  }
0x6: {  	s22 =	simm.s32 $0x0;
	[smem:$0x7FF] =	sst s4;
	s9 =	smul.u32 $0x2800, s5  }
0x7: {  	s1 =	sshll.u32 s5, $0x4;
	s29 =	ssub.s32 $0x2, s5;
	s30 =	smul.u32 $0x50000, s0  }
0x8: {  	s5 =	sadd.s32 $0x1E000, s6;
	s18 =	sshll.u32 s0, $0x6;
	s1 =	sor.u32 s0, s1  }
0x9: {  	s31 =	sshrl.u32 s29, $0x1;
	s18 =	sor.u32 $0x1C01, s18;
	s7 =	smul.u32 $0xC00, s1  }
0xa: {  	s1 =	rddreg [dreg:$0x3];
	_ =	strace $0x8000004A;
	s28 =	sadd.s32 s8, s9  }
0xb: {  	s15 =	ssub.s32 s29, s31;
	s10 =	sshrl.u32 s30, $0x2;
	s7 =	sshrl.u32 s7, $0x3  }
0xc: {  	s19 =	sadd.s32 s10, s3;
	s13 =	sadd.s32 s7, s6;
	s7 =	sshll.u32 s28, $0x4  }
0xd: {  	s14 =	sadd.s32 s7, s6;
	s6 =	sadd.s32 $0x160800, s13;
	s7 =	sadd.s32 $0x12000, s13  }
0xe: {  	s9 =	sadd.s32 $0x15000, s13;
	s12 =	sadd.s32 $0x18000, s13;
	s13 =	sadd.s32 $0x1B000, s13  }
0xf: {  	s15 =	smax.u32 s15, $0x1;
	s8 =	sadd.s32 $0x163800, s14;
	s10 =	sadd.s32 $0x1B3800, s14  }
0x10: {  	s19 =	sshrl.u32 s19, $0x3;
	s11 =	sadd.s32 $0x203800, s14;
	s14 =	sadd.s32 $0x253800, s14  }
.LBB2_1:
0x11: {  	[tilespmem:s16], [sflag:$0x1] =	stream.linear.gather [hbm4b:s6+s4], $0xA00, $0x38;
	[tilespmem:$0x19800] =	vst v63  }
0x12: {  	_ =	swait.ge [sflag:s17], $0xA00  }
0x13: {  	[sflag:s17] =	ssyncset.done $0x0  }
0x14: {  	[sflag:s17] =	ssyncadd.s32 $0xFFFFF600  }
0x15: {  	[spmem:s19], [sflag:s18] =	dma.local [hbm:s5], $0x2800  }
0x16: {  	_ =	swait.ge [sflag:s17], $0x2800  }
0x17: {  	[sflag:s17] =	ssyncset.done $0x0  }
0x18: {  	[sflag:s17] =	ssyncadd.s32 $0xFFFFD800  }
0x19: {  	[tilespmem:s4], [sflag:$0x1] =	stream.linear.gather [hbm4b:s7+s4], $0xA00, $0x38;
	[tilespmem:$0x19800] =	vst v63  }
0x1a: {  	_ =	swait.ge [sflag:s17], $0xA00  }
0x1b: {  	[sflag:s17] =	ssyncset.done $0x0  }
0x1c: {  	[sflag:s17] =	ssyncadd.s32 $0xFFFFF600  }
0x1d: {  	s23 =	simm.s32 $0x0;
	[bflag:$0x0] =	sbarrier.arrive $0xFFFF  }
0x1e: {  	[tilespmem:s21], [sflag:$0x1] =	stream.indirect.gather [hbm4b:s2+s20], $0x80, s23, s20, $0xb8;
	[tilespmem:$0x19800] =	vst v63  }
0x1f: {  	_ =	swait.ge [sflag:s17], $0x4000  }
0x20: {  	[sflag:s17] =	ssyncset.done $0x0  }
0x21: {  	s31 =	simm.s32 $0xC00;
	[sflag:s17] =	ssyncadd.s32 $0xFFFFC000  }
0x22: {  	[spmem:s3] =	stream.indirect.scatter.add.f32 [tilespmem:s21], [sflag:$0x1], $0x80, s31, s20, $0xb8;
	[tilespmem:$0x19800] =	vst v63  }
0x23: {  	_ =	swait.ge [sflag:s17], $0x4000  }
0x24: {  	s24 =	simm.s32 $0x400;
	s23 =	simm.s32 $0x200;
	[sflag:s17] =	ssyncset.done $0x0  }
.LBB2_2:
0x25: {  	s25 =	sshra.s32 s23, $0x2  }
0x26: {  	[sflag:s17] =	ssyncadd.s32 $0xFFFFC000;
	s23 =	smov.u32 s24;
	s26 =	sadd.s32 $0x200, s24  }
0x27: {  	[tilespmem:s21], [sflag:$0x1] =	stream.indirect.gather [hbm4b:s2+s20], $0x80, s25, s20, $0xb8;
	[tilespmem:$0x19800] =	vst v63  }
0x28: {  	p0 =	sne.s32 s24, $0x2600;
	_ =	swait.ge [sflag:s17], $0x4000  }
.Ltmp0:
0x29: {  	[sflag:s17] =	ssyncset.done $0x0;
	(pc) =	sbr.rel @p0 .LBB2_2-.Ltmp0, $4  }
0x2a: {  	s24 =	sadd.s32 $0xC00, s25;
	[sflag:s17] =	ssyncadd.s32 $0xFFFFC000  }
0x2b: {  	[spmem:s3] =	stream.indirect.scatter.add.f32 [tilespmem:s21], [sflag:$0x1], $0x80, s24, s20, $0xb8;
	[tilespmem:$0x19800] =	vst v63  }
0x2c: {  	_ =	swait.ge [sflag:s17], $0x4000  }
0x2d: {  	s24 =	smov.u32 s26;
	[sflag:s17] =	ssyncset.done $0x0  }
0x2e: {  	s23 =	sshra.s32 s23, $0x2;
	[sflag:s17] =	ssyncadd.s32 $0xFFFFC000  }
0x2f: {  	[tilespmem:s21], [sflag:$0x1] =	stream.indirect.gather [hbm4b:s2+s20], $0x80, s23, s20, $0xb8;
	[tilespmem:$0x19800] =	vst v63  }
0x30: {  	_ =	swait.ge [sflag:s17], $0x4000  }
0x31: {  	[sflag:s17] =	ssyncset.done $0x0  }
0x32: {  	s23 =	sadd.s32 $0xC00, s23;
	[sflag:s17] =	ssyncadd.s32 $0xFFFFC000  }
0x33: {  	[spmem:s3] =	stream.indirect.scatter.add.f32 [tilespmem:s21], [sflag:$0x1], $0x80, s23, s20, $0xb8;
	[tilespmem:$0x19800] =	vst v63  }
0x34: {  	_ =	swait.ge [sflag:s17], $0x4000  }
0x35: {  	[sflag:s17] =	ssyncset.done $0x0  }
0x36: {  	[sflag:s17] =	ssyncadd.s32 $0xFFFFC000  }
0x37: {  	[bflag:$0x0] =	sbarrier.arrive $0xFFFF  }
0x38: {  	[hbm:s8], [sflag:s18] =	dma.local [spmem:s19], $0x2800  }
0x39: {  	_ =	swait.ge [sflag:s17], $0x2800  }
0x3a: {  	[sflag:s17] =	ssyncset.done $0x0  }
0x3b: {  	[sflag:s17] =	ssyncadd.s32 $0xFFFFD800  }
0x3c: {  	[spmem:s19], [sflag:s18] =	dma.local [hbm:s5], $0x2800  }
0x3d: {  	_ =	swait.ge [sflag:s17], $0x2800  }
0x3e: {  	[sflag:s17] =	ssyncset.done $0x0  }
0x3f: {  	s29 =	simm.s32 $0x0;
	[sflag:s17] =	ssyncadd.s32 $0xFFFFD800  }
0x40: {  	[tilespmem:s29], [sflag:$0x1] =	stream.linear.gather [hbm4b:s9+s29], $0xA00, $0x38;
	[tilespmem:$0x19800] =	vst v63  }
0x41: {  	_ =	swait.ge [sflag:s17], $0xA00  }
0x42: {  	[sflag:s17] =	ssyncset.done $0x0  }
0x43: {  	[sflag:s17] =	ssyncadd.s32 $0xFFFFF600  }
0x44: {  	s30 =	simm.s32 $0x0;
	[bflag:$0x0] =	sbarrier.arrive $0xFFFF  }
0x45: {  	[tilespmem:s21], [sflag:$0x1] =	stream.indirect.gather [hbm4b:s2+s20], $0x80, s30, s20, $0xb8;
	[tilespmem:$0x19800] =	vst v63  }
0x46: {  	_ =	swait.ge [sflag:s17], $0x4000  }
0x47: {  	[sflag:s17] =	ssyncset.done $0x0  }
0x48: {  	s31 =	simm.s32 $0xC00;
	[sflag:s17] =	ssyncadd.s32 $0xFFFFC000  }
0x49: {  	[spmem:s3] =	stream.indirect.scatter.add.f32 [tilespmem:s21], [sflag:$0x1], $0x80, s31, s20, $0xb8;
	[tilespmem:$0x19800] =	vst v63  }
0x4a: {  	_ =	swait.ge [sflag:s17], $0x4000  }
0x4b: {  	s24 =	simm.s32 $0x400;
	s23 =	simm.s32 $0x200;
	[sflag:s17] =	ssyncset.done $0x0  }
.LBB2_4:
0x4c: {  	s25 =	sshra.s32 s23, $0x2  }
0x4d: {  	[sflag:s17] =	ssyncadd.s32 $0xFFFFC000;
	s23 =	smov.u32 s24;
	s26 =	sadd.s32 $0x200, s24  }
0x4e: {  	[tilespmem:s21], [sflag:$0x1] =	stream.indirect.gather [hbm4b:s2+s20], $0x80, s25, s20, $0xb8;
	[tilespmem:$0x19800] =	vst v63  }
0x4f: {  	p0 =	sne.s32 s24, $0x2600;
	_ =	swait.ge [sflag:s17], $0x4000  }
.Ltmp1:
0x50: {  	[sflag:s17] =	ssyncset.done $0x0;
	(pc) =	sbr.rel @p0 .LBB2_4-.Ltmp1, $4  }
0x51: {  	s24 =	sadd.s32 $0xC00, s25;
	[sflag:s17] =	ssyncadd.s32 $0xFFFFC000  }
0x52: {  	[spmem:s3] =	stream.indirect.scatter.add.f32 [tilespmem:s21], [sflag:$0x1], $0x80, s24, s20, $0xb8;
	[tilespmem:$0x19800] =	vst v63  }
0x53: {  	_ =	swait.ge [sflag:s17], $0x4000  }
0x54: {  	s24 =	smov.u32 s26;
	[sflag:s17] =	ssyncset.done $0x0  }
0x55: {  	s23 =	sshra.s32 s23, $0x2;
	[sflag:s17] =	ssyncadd.s32 $0xFFFFC000  }
0x56: {  	[tilespmem:s21], [sflag:$0x1] =	stream.indirect.gather [hbm4b:s2+s20], $0x80, s23, s20, $0xb8;
	[tilespmem:$0x19800] =	vst v63  }
0x57: {  	_ =	swait.ge [sflag:s17], $0x4000  }
0x58: {  	[sflag:s17] =	ssyncset.done $0x0  }
0x59: {  	s23 =	sadd.s32 $0xC00, s23;
	[sflag:s17] =	ssyncadd.s32 $0xFFFFC000  }
0x5a: {  	[spmem:s3] =	stream.indirect.scatter.add.f32 [tilespmem:s21], [sflag:$0x1], $0x80, s23, s20, $0xb8;
	[tilespmem:$0x19800] =	vst v63  }
0x5b: {  	_ =	swait.ge [sflag:s17], $0x4000  }
0x5c: {  	[sflag:s17] =	ssyncset.done $0x0  }
0x5d: {  	[sflag:s17] =	ssyncadd.s32 $0xFFFFC000  }
0x5e: {  	[bflag:$0x0] =	sbarrier.arrive $0xFFFF  }
0x5f: {  	[hbm:s10], [sflag:s18] =	dma.local [spmem:s19], $0x2800  }
0x60: {  	_ =	swait.ge [sflag:s17], $0x2800  }
0x61: {  	[sflag:s17] =	ssyncset.done $0x0  }
0x62: {  	[sflag:s17] =	ssyncadd.s32 $0xFFFFD800  }
0x63: {  	[spmem:s19], [sflag:s18] =	dma.local [hbm:s5], $0x2800  }
0x64: {  	_ =	swait.ge [sflag:s17], $0x2800  }
0x65: {  	[sflag:s17] =	ssyncset.done $0x0  }
0x66: {  	s29 =	simm.s32 $0x0;
	[sflag:s17] =	ssyncadd.s32 $0xFFFFD800  }
0x67: {  	[tilespmem:s29], [sflag:$0x1] =	stream.linear.gather [hbm4b:s12+s29], $0xA00, $0x38;
	[tilespmem:$0x19800] =	vst v63  }
0x68: {  	_ =	swait.ge [sflag:s17], $0xA00  }
0x69: {  	[sflag:s17] =	ssyncset.done $0x0  }
0x6a: {  	[sflag:s17] =	ssyncadd.s32 $0xFFFFF600  }
0x6b: {  	s30 =	simm.s32 $0x0;
	[bflag:$0x0] =	sbarrier.arrive $0xFFFF  }
0x6c: {  	[tilespmem:s21], [sflag:$0x1] =	stream.indirect.gather [hbm4b:s2+s20], $0x80, s30, s20, $0xb8;
	[tilespmem:$0x19800] =	vst v63  }
0x6d: {  	_ =	swait.ge [sflag:s17], $0x4000  }
0x6e: {  	[sflag:s17] =	ssyncset.done $0x0  }
0x6f: {  	s31 =	simm.s32 $0xC00;
	[sflag:s17] =	ssyncadd.s32 $0xFFFFC000  }
0x70: {  	[spmem:s3] =	stream.indirect.scatter.add.f32 [tilespmem:s21], [sflag:$0x1], $0x80, s31, s20, $0xb8;
	[tilespmem:$0x19800] =	vst v63  }
0x71: {  	_ =	swait.ge [sflag:s17], $0x4000  }
0x72: {  	s24 =	simm.s32 $0x400;
	s23 =	simm.s32 $0x200;
	[sflag:s17] =	ssyncset.done $0x0  }
.LBB2_6:
0x73: {  	s25 =	sshra.s32 s23, $0x2  }
0x74: {  	[sflag:s17] =	ssyncadd.s32 $0xFFFFC000;
	s23 =	smov.u32 s24;
	s26 =	sadd.s32 $0x200, s24  }
0x75: {  	[tilespmem:s21], [sflag:$0x1] =	stream.indirect.gather [hbm4b:s2+s20], $0x80, s25, s20, $0xb8;
	[tilespmem:$0x19800] =	vst v63  }
0x76: {  	p0 =	sne.s32 s24, $0x2600;
	_ =	swait.ge [sflag:s17], $0x4000  }
.Ltmp2:
0x77: {  	[sflag:s17] =	ssyncset.done $0x0;
	(pc) =	sbr.rel @p0 .LBB2_6-.Ltmp2, $4  }
0x78: {  	s24 =	sadd.s32 $0xC00, s25;
	[sflag:s17] =	ssyncadd.s32 $0xFFFFC000  }
0x79: {  	[spmem:s3] =	stream.indirect.scatter.add.f32 [tilespmem:s21], [sflag:$0x1], $0x80, s24, s20, $0xb8;
	[tilespmem:$0x19800] =	vst v63  }
0x7a: {  	_ =	swait.ge [sflag:s17], $0x4000  }
0x7b: {  	s24 =	smov.u32 s26;
	[sflag:s17] =	ssyncset.done $0x0  }
0x7c: {  	s23 =	sshra.s32 s23, $0x2;
	[sflag:s17] =	ssyncadd.s32 $0xFFFFC000  }
0x7d: {  	[tilespmem:s21], [sflag:$0x1] =	stream.indirect.gather [hbm4b:s2+s20], $0x80, s23, s20, $0xb8;
	[tilespmem:$0x19800] =	vst v63  }
0x7e: {  	_ =	swait.ge [sflag:s17], $0x4000  }
0x7f: {  	[sflag:s17] =	ssyncset.done $0x0  }
0x80: {  	s23 =	sadd.s32 $0xC00, s23;
	[sflag:s17] =	ssyncadd.s32 $0xFFFFC000  }
0x81: {  	[spmem:s3] =	stream.indirect.scatter.add.f32 [tilespmem:s21], [sflag:$0x1], $0x80, s23, s20, $0xb8;
	[tilespmem:$0x19800] =	vst v63  }
0x82: {  	_ =	swait.ge [sflag:s17], $0x4000  }
0x83: {  	[sflag:s17] =	ssyncset.done $0x0  }
0x84: {  	[sflag:s17] =	ssyncadd.s32 $0xFFFFC000  }
0x85: {  	[bflag:$0x0] =	sbarrier.arrive $0xFFFF  }
0x86: {  	[hbm:s11], [sflag:s18] =	dma.local [spmem:s19], $0x2800  }
0x87: {  	_ =	swait.ge [sflag:s17], $0x2800  }
0x88: {  	[sflag:s17] =	ssyncset.done $0x0  }
0x89: {  	[sflag:s17] =	ssyncadd.s32 $0xFFFFD800  }
0x8a: {  	[spmem:s19], [sflag:s18] =	dma.local [hbm:s5], $0x2800  }
0x8b: {  	_ =	swait.ge [sflag:s17], $0x2800  }
0x8c: {  	[sflag:s17] =	ssyncset.done $0x0  }
0x8d: {  	s29 =	simm.s32 $0x0;
	[sflag:s17] =	ssyncadd.s32 $0xFFFFD800  }
0x8e: {  	[tilespmem:s29], [sflag:$0x1] =	stream.linear.gather [hbm4b:s13+s29], $0xA00, $0x38;
	[tilespmem:$0x19800] =	vst v63  }
0x8f: {  	_ =	swait.ge [sflag:s17], $0xA00  }
0x90: {  	[sflag:s17] =	ssyncset.done $0x0  }
0x91: {  	[sflag:s17] =	ssyncadd.s32 $0xFFFFF600  }
0x92: {  	s30 =	simm.s32 $0x0;
	[bflag:$0x0] =	sbarrier.arrive $0xFFFF  }
0x93: {  	[tilespmem:s21], [sflag:$0x1] =	stream.indirect.gather [hbm4b:s2+s20], $0x80, s30, s20, $0xb8;
	[tilespmem:$0x19800] =	vst v63  }
0x94: {  	_ =	swait.ge [sflag:s17], $0x4000  }
0x95: {  	[sflag:s17] =	ssyncset.done $0x0  }
0x96: {  	s31 =	simm.s32 $0xC00;
	[sflag:s17] =	ssyncadd.s32 $0xFFFFC000  }
0x97: {  	[spmem:s3] =	stream.indirect.scatter.add.f32 [tilespmem:s21], [sflag:$0x1], $0x80, s31, s20, $0xb8;
	[tilespmem:$0x19800] =	vst v63  }
0x98: {  	_ =	swait.ge [sflag:s17], $0x4000  }
0x99: {  	s24 =	simm.s32 $0x400;
	s23 =	simm.s32 $0x200;
	[sflag:s17] =	ssyncset.done $0x0  }
.LBB2_8:
0x9a: {  	s25 =	sshra.s32 s23, $0x2  }
0x9b: {  	[sflag:s17] =	ssyncadd.s32 $0xFFFFC000;
	s23 =	smov.u32 s24;
	s26 =	sadd.s32 $0x200, s24  }
0x9c: {  	[tilespmem:s21], [sflag:$0x1] =	stream.indirect.gather [hbm4b:s2+s20], $0x80, s25, s20, $0xb8;
	[tilespmem:$0x19800] =	vst v63  }
0x9d: {  	p0 =	sne.s32 s24, $0x2600;
	_ =	swait.ge [sflag:s17], $0x4000  }
.Ltmp3:
0x9e: {  	[sflag:s17] =	ssyncset.done $0x0;
	(pc) =	sbr.rel @p0 .LBB2_8-.Ltmp3, $4  }
0x9f: {  	s24 =	sadd.s32 $0xC00, s25;
	[sflag:s17] =	ssyncadd.s32 $0xFFFFC000  }
0xa0: {  	[spmem:s3] =	stream.indirect.scatter.add.f32 [tilespmem:s21], [sflag:$0x1], $0x80, s24, s20, $0xb8;
	[tilespmem:$0x19800] =	vst v63  }
0xa1: {  	_ =	swait.ge [sflag:s17], $0x4000  }
0xa2: {  	s24 =	smov.u32 s26;
	[sflag:s17] =	ssyncset.done $0x0  }
0xa3: {  	s23 =	sshra.s32 s23, $0x2;
	[sflag:s17] =	ssyncadd.s32 $0xFFFFC000  }
0xa4: {  	[tilespmem:s21], [sflag:$0x1] =	stream.indirect.gather [hbm4b:s2+s20], $0x80, s23, s20, $0xb8;
	[tilespmem:$0x19800] =	vst v63  }
0xa5: {  	_ =	swait.ge [sflag:s17], $0x4000  }
0xa6: {  	[sflag:s17] =	ssyncset.done $0x0  }
0xa7: {  	s23 =	sadd.s32 $0xC00, s23;
	[sflag:s17] =	ssyncadd.s32 $0xFFFFC000  }
0xa8: {  	[spmem:s3] =	stream.indirect.scatter.add.f32 [tilespmem:s21], [sflag:$0x1], $0x80, s23, s20, $0xb8;
	[tilespmem:$0x19800] =	vst v63  }
0xa9: {  	_ =	swait.ge [sflag:s17], $0x4000  }
0xaa: {  	s22 =	sadd.s32 $0x1, s22;
	[sflag:s17] =	ssyncset.done $0x0  }
0xab: {  	p0 =	sne.s32 s22, s15;
	[sflag:s17] =	ssyncadd.s32 $0xFFFFC000  }
.Ltmp4:
0xac: {  	[bflag:$0x0] =	sbarrier.arrive $0xFFFF;
	(pc) =	sbr.rel @p0 .LBB2_1-.Ltmp4, $4  }
0xad: {  	[hbm:s14], [sflag:s18] =	dma.local [spmem:s19], $0x2800  }
0xae: {  	_ =	swait.ge [sflag:s17], $0x2800  }
0xaf: {  	[sflag:s17] =	ssyncset.done $0x0  }
0xb0: {  	[sflag:s17] =	ssyncadd.s32 $0xFFFFD800  }
0xb1: {  	_ =	sfence.sel $0x180000  }
0xb2: {  	[bflag:$0x0] =	sbarrier.arrive $0xFFFF  }
0xb3: {  	p0 =	sne.s32 s0, $0x0;
	_ =	strace $0x9000004A  }
0xb4: {  	s0 =	sadd.s32 @!p0 $0x100000, s1;
	[bflag:$0x2] =	sbarrier.arrive $0xFFFF  }
0xb5: {  	[sflag:s0] =	ssyncadd.tile.s32 @!p0 $0x1;
	_ =	shalt  }
.Lfunc_end2:
_tile_overlayer_lowered:
.L_overlay_start_2:
0xb6: {  	(tag) =	ssettag $0x2  }
0xb7: {  	s0 =	rddreg [dreg:$0x0];
	s2 =	stileid.u32  }
0xb8: {  	s1 =	rddreg [dreg:$0x1];
	p0 =	sne.s32 s2, $0x0  }
0xb9: {  	s3 =	rddreg [dreg:$0x2];
	[bflag:$0x3] =	sbarrier.arrive $0xFFFF;
	s2 =	simm.s32 @!p0 $0x1C01  }
0xba: {  	[timem:s3], [sflag:s2] =	dma.local @!p0 [hbm:s0], s1  }
0xbb: {  	s0 =	simm.s32 @!p0 $0x1  }
0xbc: {  	_ =	swait.ge @!p0 [sflag:s0], s1  }
0xbd: {  	s1 =	ssub.s32 @!p0 $0x0, s1;
	[sflag:s0] =	ssyncset.done @!p0 $0x0  }
0xbe: {  	[sflag:s0] =	ssyncadd.s32 @!p0 s1  }
0xbf: {  	[bflag:$0x3] =	sbarrier.arrive $0xFFFF  }
0xc0: {  	_ =	shalt  }

// kernel: kernel.8.cloned.1.call-start
scs
__scs_entry_jumppad:
0x0: {  	(pc) =	sbr.rel $0x88, $3  }
0x1: {  	(tag) =	ssettag $0x0;
	lr =	simm.s32 $0x1  }
0x2: {  	[smem:$0x3F8F] =	sst lr;
	_ =	strace $0xD0000000  }
0x3: {  	_ = 	snop  }
0x4: {  	_ = 	snop  }
0x5: {  	_ = 	snop  }
0x6: {  	_ = 	snop  }
0x7: {  	_ = 	snop  }
__scs_overlays_trampoline_lowered:
0x8: {  	[smem:$0x3F9E] =	sst s0  }
0x9: {  	[smem:$0x3F9F] =	sst s1  }
0xa: {  	[smem:$0x3FA0] =	sst s2  }
0xb: {  	[smem:$0x3FA1] =	sst s3  }
0xc: {  	[smem:$0x3FA2] =	sst s4  }
0xd: {  	[smem:$0x3FA3] =	sst s5  }
0xe: {  	[smem:$0x3FA4] =	sst s6  }
0xf: {  	[smem:$0x3FA5] =	sst s7  }
0x10: {  	[smem:$0x3FA6] =	sst s8  }
0x11: {  	[smem:$0x3FA7] =	sst s9;
	s0 =	simm.s32 @!p0 $0x0  }
0x12: {  	s1 =	sld [smem:$0x3F8D];
	s0 =	simm.s32 @p0 $0x1  }
0x13: {  	[smem:$0x3FA8] =	sst s0;
	s0 =	simm.s32 @!p1 $0x0  }
0x14: {  	s2 =	sld [smem:$0x3F8C];
	s0 =	simm.s32 @p1 $0x1  }
0x15: {  	[smem:$0x3FA9] =	sst s0;
	s0 =	simm.s32 @!p2 $0x0  }
0x16: {  	s3 =	sld [smem:$0x3FDB];
	s0 =	simm.s32 @p2 $0x1  }
0x17: {  	s4 =	simm.s32 $0x1BF5;
	[smem:$0x3FAB] =	sst s0  }
0x18: {  	s0 =	sld [smem:$0x3F8E];
	_ =	swait.ge [sflag:s4], $0x0  }
0x19: {  	s7 =	sld [smem:$0x3F8F]  }
0x1a: {  	s8 =	sadd.s32 $0xFFFFE003, lr  }
0x1b: {  	s9 =	sadd.s32 $0xFFFFFEF7, lr;
	s5 =	simm.s32 $0xFFFFFFFF;
	p2 =	slt.u32 s8, $0xFFFFF086  }
0x1c: {  	p1 =	slt.u32 s9, $0xF7A;
	s5 =	simm.s32 @!p2 $0x0  }
0x1d: {  	s5 =	simm.s32 @p1 $0x1;
	p0 =	seq.s32 s7, s2  }
0x1e: {  	s7 =	smul.u32 @!p0 $0xF7A, s2;
	p2 =	seq.s32 @!p0 s5, $0x0  }
0x1f: {  	s9 =	smul.u32 $0xF7A, s1;
	s8 =	simm.s32 @!p0 $0x1BF5;
	p2 =	por !p2, p0  }
0x20: {  	[sflag:s8] =	ssyncset.s32 @!p0 $0xFFFFF086;
	s6 =	sadd.s32 @!p0 s3, s7;
	s7 =	simm.s32 @!p0 $0x108  }
0x21: {  	s3 =	sadd.s32 s3, s9;
	s6 =	sadd.s32 @!p0 $0x88, s6;
	s7 =	simm.s32 @p2 $0x1082  }
0x22: {  	[simem:s7], [sflag:s8] =	dma.local @!p0 [hbm:s6], $0xF7A  }
0x23: {  	s9 =	sor.u32 $0xD0000000, s2;
	s6 =	simm.s32 $0x108;
	_ =	swait.ge @!p0 [sflag:s8], $0x0  }
0x24: {  	s3 =	sadd.s32 $0x88, s3;
	s6 =	simm.s32 @!p1 $0x1082;
	[sflag:s4] =	ssyncset.s32 $0xFFFFF086  }
0x25: {  	[simem:s6], [sflag:s4] =	dma.local [hbm:s3], $0xF7A  }
0x26: {  	[smem:$0x3F8F] =	sst s1;
	(tag) =	ssettag s2;
	_ =	strace s9  }
0x27: {  	s1 =	sld [smem:$0x3F9F]  }
0x28: {  	s2 =	sld [smem:$0x3FA0]  }
0x29: {  	s4 =	sld [smem:$0x3FA2]  }
0x2a: {  	p0 =	seq.s32 s5, $0x0;
	s5 =	sld [smem:$0x3FA3]  }
0x2b: {  	s6 =	sld [smem:$0x3FA4]  }
0x2c: {  	s7 =	sld [smem:$0x3FA5]  }
0x2d: {  	s3 =	simm.s32 $0x108;
	s8 =	sld [smem:$0x3FA6]  }
0x2e: {  	s3 =	simm.s32 @!p0 $0x1082;
	s9 =	sld [smem:$0x3FA7]  }
0x2f: {  	lr =	sadd.s32 s0, s3;
	s0 =	sld [smem:$0x3F9E]  }
0x30: {  	s3 =	sld [smem:$0x3FA1]  }
0x31: {  	[smem:$0x3FAA] =	sst s10  }
0x32: {  	s10 =	sld [smem:$0x3FA8];
	_ =	sdelay $0x3  }
0x33: {  	p0 =	seq.s32 s10, $0x1;
	s10 =	sld [smem:$0x3FAA];
	_ =	sdelay $0x3  }
0x34: {  	[smem:$0x3FAA] =	sst s10  }
0x35: {  	s10 =	sld [smem:$0x3FA9];
	_ =	sdelay $0x3  }
0x36: {  	p1 =	seq.s32 s10, $0x1;
	s10 =	sld [smem:$0x3FAA];
	_ =	sdelay $0x3  }
0x37: {  	[smem:$0x3FAA] =	sst s10  }
0x38: {  	s10 =	sld [smem:$0x3FAB]  }
0x39: {  	_ = 	snop;
	(pc) =	sbr.ind lr, $3  }
0x3a: {  	_ = 	snop  }
0x3b: {  	_ = 	snop  }
0x3c: {  	p2 =	seq.s32 s10, $0x1;
	s10 =	sld [smem:$0x3FAA]  }
0x3d: {  	_ =	shalt  }
0x3e: {  	_ =	shalt  }
0x3f: {  	_ =	shalt  }
0x40: {  	_ =	shalt  }
0x41: {  	_ =	shalt  }
0x42: {  	_ =	shalt  }
0x43: {  	_ =	shalt  }
0x44: {  	_ =	shalt  }
0x45: {  	_ =	shalt  }
0x46: {  	_ =	shalt  }
0x47: {  	_ =	shalt  }
0x48: {  	_ =	shalt  }
0x49: {  	_ =	shalt  }
0x4a: {  	_ =	shalt  }
0x4b: {  	_ =	shalt  }
0x4c: {  	_ =	shalt  }
0x4d: {  	_ =	shalt  }
0x4e: {  	_ =	shalt  }
0x4f: {  	_ =	shalt  }
0x50: {  	_ =	shalt  }
0x51: {  	_ =	shalt  }
0x52: {  	_ =	shalt  }
0x53: {  	_ =	shalt  }
0x54: {  	_ =	shalt  }
0x55: {  	_ =	shalt  }
0x56: {  	_ =	shalt  }
0x57: {  	_ =	shalt  }
0x58: {  	_ =	shalt  }
0x59: {  	_ =	shalt  }
0x5a: {  	_ =	shalt  }
0x5b: {  	_ =	shalt  }
0x5c: {  	_ =	shalt  }
0x5d: {  	_ =	shalt  }
0x5e: {  	_ =	shalt  }
0x5f: {  	_ =	shalt  }
0x60: {  	_ =	shalt  }
0x61: {  	_ =	shalt  }
0x62: {  	_ =	shalt  }
0x63: {  	_ =	shalt  }
0x64: {  	_ =	shalt  }
0x65: {  	_ =	shalt  }
0x66: {  	_ =	shalt  }
0x67: {  	_ =	shalt  }
0x68: {  	_ =	shalt  }
0x69: {  	_ =	shalt  }
0x6a: {  	_ =	shalt  }
0x6b: {  	_ =	shalt  }
0x6c: {  	_ =	shalt  }
0x6d: {  	_ =	shalt  }
0x6e: {  	_ =	shalt  }
0x6f: {  	_ =	shalt  }
0x70: {  	_ =	shalt  }
0x71: {  	_ =	shalt  }
0x72: {  	_ =	shalt  }
0x73: {  	_ =	shalt  }
0x74: {  	_ =	shalt  }
0x75: {  	_ =	shalt  }
0x76: {  	_ =	shalt  }
0x77: {  	_ =	shalt  }
0x78: {  	_ =	shalt  }
0x79: {  	_ =	shalt  }
0x7a: {  	_ =	shalt  }
0x7b: {  	_ =	shalt  }
0x7c: {  	_ =	shalt  }
0x7d: {  	_ =	shalt  }
0x7e: {  	_ =	shalt  }
0x7f: {  	_ =	shalt  }
0x80: {  	_ =	shalt  }
0x81: {  	_ =	shalt  }
0x82: {  	_ =	shalt  }
0x83: {  	_ =	shalt  }
0x84: {  	_ =	shalt  }
0x85: {  	_ =	shalt  }
0x86: {  	_ =	shalt  }
0x87: {  	_ =	shalt  }
.Lfunc_end0:
.L_simem_size_0:
called_computation_lowered:
.L_overlay_start_0:
0x88: {  	s2 =	sld [smem:$0x3FD9]  }
0x89: {  	s3 =	sld [smem:$0x3FFE];
	_ =	sdelay $0x1  }
0x8a: {  	s1 =	srdreg.scid  }
0x8b: {  	s0 =	sand.u32 $0x1, s1  }
0x8c: {  	s14 =	sshll.u32 s0, $0xA;
	s2 =	sadd.s32 s3, s2  }
0x8d: {  	s2 =	sadd.s32 s2, s14  }
0x8e: {  	[smem:$0x3FB6] =	sst s2  }
0x8f: {  	_ = 	snop  }
0x90: {  	s2 =	sld [smem:$0x3FD0];
	_ =	sdelay $0x2  }
0x91: {  	s15 =	simm.s32 $0xB;
	s4 =	simm.s32 $0x10  }
0x92: {  	[smem:s4], [sflag:s15] =	dma.local [hbm:s2], $0x1  }
0x93: {  	_ =	swait.eq [sflag:s15], $0x1  }
0x94: {  	[sflag:s15] =	ssyncset.done $0x0  }
0x95: {  	[sflag:s15] =	ssyncadd.s32 $0xFFFFFFFF  }
0x96: {  	s16 =	sld [smem:$0x10];
	(tm) =	ssettm $0x1  }
0x97: {  	s17 =	sld [smem:$0x3FFB];
	_ =	sdelay $0x3  }
0x98: {  	_ =	strace s17  }
0x99: {  	s3 =	sld [smem:$0x3FFC];
	_ =	sdelay $0x3  }
0x9a: {  	_ =	strace s3  }
0x9b: {  	s3 =	sld [smem:$0x3FFD];
	_ =	sdelay $0x3  }
0x9c: {  	_ =	strace s3  }
0x9d: {  	_ =	strace $0x8FFFFFFF  }
0x9e: {  	s18 =	sld [smem:$0x3FDB];
	_ =	sdelay $0x1  }
0x9f: {  	s19 =	simm.s32 $_scs_section_size  }
0xa0: {  	s5 =	simm.s32 $_size__tile_overlayer_lowered;
	s6 =	simm.s32 $_tile_overlayer_lowered  }
0xa1: {  	s22 =	simm.s32 $0x1BFF;
	s21 =	sshll.u32 s6, $0x1;
	s3 =	sadd.s32 s19, s18  }
0xa2: {  	s7 =	simm.s32 $0x0;
	s20 =	sshll.u32 s5, $0x1;
	s5 =	sadd.s32 s21, s3  }
0xa3: {  	[timem:s7], [sflag:s22] =	dma.local [hbm:s5], s20  }
0xa4: {  	_ =	swait.ge [sflag:s22], s20  }
0xa5: {  	s4 =	ssub.s32 $0x0, s20;
	[sflag:s22] =	ssyncset.done $0x0  }
0xa6: {  	[sflag:s22] =	ssyncadd.s32 s4;
	_ =	sdelay $0x1  }
0xa7: {  	s23 =	simm.s32 $0x1B8B  }
0xa8: {  	_ =	swait.ge [sflag:s23], $0x1  }
0xa9: {  	[sflag:s23] =	ssyncset.done $0x0  }
0xaa: {  	s25 =	simm.s32 $0x1B8E;
	s24 =	sld [smem:$0x3FFE];
	[sflag:s23] =	ssyncadd.s32 $0xFFFFFFFF  }
0xab: {  	s26 =	simm.s32 $execute0_lowered;
	[smem:$0x3FD2] =	sst s25  }
0xac: {  	s5 =	sshll.u32 s26, $0x1;
	_ =	strace $0x80000046;
	[dreg:$0x1] =	wrdreg $0xFFFFFFFF  }
0xad: {  	s28 =	simm.s32 $_size_execute0_lowered;
	s3 =	sadd.s32 s3, s5;
	[dreg:$0x0] =	wrdreg $0x0  }
0xae: {  	s5 =	sshll.u32 s28, $0x1;
	[dreg:$0x2] =	wrdreg s3  }
0xaf: {  	[dreg:$0x3] =	wrdreg s5  }
0xb0: {  	[dreg:$0x4] =	wrdreg $0xC0  }
0xb1: {  	_ =	task [dreg:s7], $0x5FFFF  }
0xb2: {  	[dreg:$0x1] =	wrdreg $0xFFFFFFFF  }
0xb3: {  	[dreg:$0x0] =	wrdreg $0x60  }
0xb4: {  	[dreg:$0x2] =	wrdreg s16  }
0xb5: {  	[dreg:$0x3] =	wrdreg s24  }
0xb6: {  	[dreg:$0x4] =	wrdreg $0x58000  }
0xb7: {  	[dreg:$0x5] =	wrdreg $0x9  }
0xb8: {  	_ =	task.clear_ibuf [dreg:s7], $0x6FFFF;
	_ =	strace $0x90000046  }
0xb9: {  	s29 =	simm.s32 $0x9;
	_ =	strace $0x80000048  }
0xba: {  	_ =	swait.ge [sflag:s29], $0x1  }
0xbb: {  	[sflag:s29] =	ssyncadd.s32 $0xFFFFFFFF  }
0xbc: {  	_ =	strace $0x90000048  }
0xbd: {  	_ =	sfence  }
0xbe: {  	s30 =	sld [smem:$0x0];
	_ =	sdelay $0x2  }
0xbf: {  	s31 =	sshll.u32 s1, $0xD;
	s1 =	sshrl.u32 s1, $0x2  }
0xc0: {  	s3 =	sand.u32 $0x4000, s31;
	s1 =	sadd.s32 s1, s30  }
0xc1: {  	s0 =	sor.u32 s3, s0;
	s1 =	sshll.u32 s1, $0x11  }
0xc2: {  	s0 =	sor.u32 s1, s0  }
0xc3: {  	s0 =	sadd.s32 $0x8F2B, s0  }
0xc4: {  	[sflag:s0] =	ssyncadd.remote.s32 $0x1  }
0xc5: {  	_ =	sfence.sel $0xFFFF  }
0xc6: {  	[dreg:$0x0] =	wrdreg $0xFFFFFFFF;
	(pc) =	sbr.abs _section_cstart, $3  }
0xc7: {  	[dreg:$0x1] =	wrdreg $0xFFFFFFFF  }
0xc8: {  	_ =	task.clear_ibuf [dreg:s7], $0x2FFFF;
	_ =	strace $0x9FFFFFFF  }
0xc9: {  	(tm) =	ssettm $0x7FFFFFFF  }
tec
execute0_lowered:
.L_overlay_start_1:
0x0: {  	(tag) =	ssettag $0x1  }
0x1: {  	s2 =	rddreg [dreg:$0x0]  }
0x2: {  	s0 =	srdreg.scid;
	s6 =	rddreg [dreg:$0x1]  }
0x3: {  	s3 =	rddreg [dreg:$0x2];
	s4 =	simm.s32 $0x0;
	s16 =	simm.s32 $0xC00  }
0x4: {  	s17 =	simm.s32 $0x1;
	s5 =	sand.u32 $0x1, s0;
	s0 =	stileid.u32  }
0x5: {  	s20 =	simm.s32 $0x80;
	s21 =	simm.s32 $0x1800;
	s8 =	smul.u32 $0x280, s0  }
0x6: {  	s22 =	simm.s32 $0x0;
	[smem:$0x7FF] =	sst s4;
	s9 =	smul.u32 $0x2800, s5  }
0x7: {  	s1 =	sshll.u32 s5, $0x4;
	s28 =	ssub.s32 $0x2, s5;
	s29 =	smul.u32 $0x50000, s0  }
0x8: {  	s5 =	sadd.s32 $0x1E000, s6;
	s18 =	sshll.u32 s0, $0x6;
	s1 =	sor.u32 s0, s1  }
0x9: {  	s30 =	sshrl.u32 s28, $0x1;
	s18 =	sor.u32 $0x1C01, s18;
	s7 =	smul.u32 $0xC00, s1  }
0xa: {  	s1 =	rddreg [dreg:$0x3];
	_ =	strace $0x80000047;
	s26 =	sadd.s32 s8, s9  }
0xb: {  	s15 =	ssub.s32 s28, s30;
	s31 =	sshrl.u32 s29, $0x2;
	s7 =	sshrl.u32 s7, $0x3  }
0xc: {  	s19 =	sadd.s32 s31, s3;
	s13 =	sadd.s32 s7, s6;
	s7 =	sshll.u32 s26, $0x4  }
0xd: {  	s15 =	smax.u32 s15, $0x1;
	s19 =	sshrl.u32 s19, $0x3;
	s14 =	sadd.s32 s7, s6  }
0xe: {  	s6 =	sadd.s32 $0x3000, s13;
	s7 =	sadd.s32 $0x6000, s13;
	s9 =	sadd.s32 $0x9000, s13  }
0xf: {  	s11 =	sadd.s32 $0xC000, s13;
	s13 =	sadd.s32 $0xF000, s13;
	s8 =	sadd.s32 $0x20800, s14  }
0x10: {  	s10 =	sadd.s32 $0x70800, s14;
	s12 =	sadd.s32 $0xC0800, s14;
	s14 =	sadd.s32 $0x110800, s14  }
.LBB2_1:
0x11: {  	[tilespmem:s16], [sflag:$0x1] =	stream.linear.gather [hbm4b:s6+s4], $0xA00, $0x38;
	[tilespmem:$0x19800] =	vst v63  }
0x12: {  	_ =	swait.ge [sflag:s17], $0xA00  }
0x13: {  	[sflag:s17] =	ssyncset.done $0x0  }
0x14: {  	[sflag:s17] =	ssyncadd.s32 $0xFFFFF600  }
0x15: {  	[spmem:s19], [sflag:s18] =	dma.local [hbm:s5], $0x2800  }
0x16: {  	_ =	swait.ge [sflag:s17], $0x2800  }
0x17: {  	[sflag:s17] =	ssyncset.done $0x0  }
0x18: {  	[sflag:s17] =	ssyncadd.s32 $0xFFFFD800  }
0x19: {  	[tilespmem:s4], [sflag:$0x1] =	stream.linear.gather [hbm4b:s7+s4], $0xA00, $0x38;
	[tilespmem:$0x19800] =	vst v63  }
0x1a: {  	_ =	swait.ge [sflag:s17], $0xA00  }
0x1b: {  	[sflag:s17] =	ssyncset.done $0x0  }
0x1c: {  	[sflag:s17] =	ssyncadd.s32 $0xFFFFF600  }
0x1d: {  	s23 =	simm.s32 $0x0;
	[bflag:$0x0] =	sbarrier.arrive $0xFFFF  }
0x1e: {  	[tilespmem:s21], [sflag:$0x1] =	stream.indirect.gather [hbm4b:s2+s20], $0x80, s23, s20, $0xb8;
	[tilespmem:$0x19800] =	vst v63  }
0x1f: {  	_ =	swait.ge [sflag:s17], $0x4000  }
0x20: {  	[sflag:s17] =	ssyncset.done $0x0  }
0x21: {  	s31 =	simm.s32 $0xC00;
	[sflag:s17] =	ssyncadd.s32 $0xFFFFC000  }
0x22: {  	[spmem:s3] =	stream.indirect.scatter.add.f32 [tilespmem:s21], [sflag:$0x1], $0x80, s31, s20, $0xb8;
	[tilespmem:$0x19800] =	vst v63  }
0x23: {  	_ =	swait.ge [sflag:s17], $0x4000  }
0x24: {  	s24 =	simm.s32 $0x400;
	s23 =	simm.s32 $0x200;
	[sflag:s17] =	ssyncset.done $0x0  }
.LBB2_2:
0x25: {  	s25 =	sshra.s32 s23, $0x2  }
0x26: {  	[sflag:s17] =	ssyncadd.s32 $0xFFFFC000;
	s23 =	smov.u32 s24;
	s26 =	sadd.s32 $0x200, s24  }
0x27: {  	[tilespmem:s21], [sflag:$0x1] =	stream.indirect.gather [hbm4b:s2+s20], $0x80, s25, s20, $0xb8;
	[tilespmem:$0x19800] =	vst v63  }
0x28: {  	p0 =	sne.s32 s24, $0x2600;
	_ =	swait.ge [sflag:s17], $0x4000  }
.Ltmp0:
0x29: {  	[sflag:s17] =	ssyncset.done $0x0;
	(pc) =	sbr.rel @p0 .LBB2_2-.Ltmp0, $4  }
0x2a: {  	s24 =	sadd.s32 $0xC00, s25;
	[sflag:s17] =	ssyncadd.s32 $0xFFFFC000  }
0x2b: {  	[spmem:s3] =	stream.indirect.scatter.add.f32 [tilespmem:s21], [sflag:$0x1], $0x80, s24, s20, $0xb8;
	[tilespmem:$0x19800] =	vst v63  }
0x2c: {  	_ =	swait.ge [sflag:s17], $0x4000  }
0x2d: {  	s24 =	smov.u32 s26;
	[sflag:s17] =	ssyncset.done $0x0  }
0x2e: {  	s23 =	sshra.s32 s23, $0x2;
	[sflag:s17] =	ssyncadd.s32 $0xFFFFC000  }
0x2f: {  	[tilespmem:s21], [sflag:$0x1] =	stream.indirect.gather [hbm4b:s2+s20], $0x80, s23, s20, $0xb8;
	[tilespmem:$0x19800] =	vst v63  }
0x30: {  	_ =	swait.ge [sflag:s17], $0x4000  }
0x31: {  	[sflag:s17] =	ssyncset.done $0x0  }
0x32: {  	s23 =	sadd.s32 $0xC00, s23;
	[sflag:s17] =	ssyncadd.s32 $0xFFFFC000  }
0x33: {  	[spmem:s3] =	stream.indirect.scatter.add.f32 [tilespmem:s21], [sflag:$0x1], $0x80, s23, s20, $0xb8;
	[tilespmem:$0x19800] =	vst v63  }
0x34: {  	_ =	swait.ge [sflag:s17], $0x4000  }
0x35: {  	[sflag:s17] =	ssyncset.done $0x0  }
0x36: {  	[sflag:s17] =	ssyncadd.s32 $0xFFFFC000  }
0x37: {  	[bflag:$0x0] =	sbarrier.arrive $0xFFFF  }
0x38: {  	[hbm:s8], [sflag:s18] =	dma.local [spmem:s19], $0x2800  }
0x39: {  	_ =	swait.ge [sflag:s17], $0x2800  }
0x3a: {  	[sflag:s17] =	ssyncset.done $0x0  }
0x3b: {  	[sflag:s17] =	ssyncadd.s32 $0xFFFFD800  }
0x3c: {  	[spmem:s19], [sflag:s18] =	dma.local [hbm:s5], $0x2800  }
0x3d: {  	_ =	swait.ge [sflag:s17], $0x2800  }
0x3e: {  	[sflag:s17] =	ssyncset.done $0x0  }
0x3f: {  	s29 =	simm.s32 $0x0;
	[sflag:s17] =	ssyncadd.s32 $0xFFFFD800  }
0x40: {  	[tilespmem:s29], [sflag:$0x1] =	stream.linear.gather [hbm4b:s9+s29], $0xA00, $0x38;
	[tilespmem:$0x19800] =	vst v63  }
0x41: {  	_ =	swait.ge [sflag:s17], $0xA00  }
0x42: {  	[sflag:s17] =	ssyncset.done $0x0  }
0x43: {  	[sflag:s17] =	ssyncadd.s32 $0xFFFFF600  }
0x44: {  	s30 =	simm.s32 $0x0;
	[bflag:$0x0] =	sbarrier.arrive $0xFFFF  }
0x45: {  	[tilespmem:s21], [sflag:$0x1] =	stream.indirect.gather [hbm4b:s2+s20], $0x80, s30, s20, $0xb8;
	[tilespmem:$0x19800] =	vst v63  }
0x46: {  	_ =	swait.ge [sflag:s17], $0x4000  }
0x47: {  	[sflag:s17] =	ssyncset.done $0x0  }
0x48: {  	s31 =	simm.s32 $0xC00;
	[sflag:s17] =	ssyncadd.s32 $0xFFFFC000  }
0x49: {  	[spmem:s3] =	stream.indirect.scatter.add.f32 [tilespmem:s21], [sflag:$0x1], $0x80, s31, s20, $0xb8;
	[tilespmem:$0x19800] =	vst v63  }
0x4a: {  	_ =	swait.ge [sflag:s17], $0x4000  }
0x4b: {  	s24 =	simm.s32 $0x400;
	s23 =	simm.s32 $0x200;
	[sflag:s17] =	ssyncset.done $0x0  }
.LBB2_4:
0x4c: {  	s25 =	sshra.s32 s23, $0x2  }
0x4d: {  	[sflag:s17] =	ssyncadd.s32 $0xFFFFC000;
	s23 =	smov.u32 s24;
	s26 =	sadd.s32 $0x200, s24  }
0x4e: {  	[tilespmem:s21], [sflag:$0x1] =	stream.indirect.gather [hbm4b:s2+s20], $0x80, s25, s20, $0xb8;
	[tilespmem:$0x19800] =	vst v63  }
0x4f: {  	p0 =	sne.s32 s24, $0x2600;
	_ =	swait.ge [sflag:s17], $0x4000  }
.Ltmp1:
0x50: {  	[sflag:s17] =	ssyncset.done $0x0;
	(pc) =	sbr.rel @p0 .LBB2_4-.Ltmp1, $4  }
0x51: {  	s24 =	sadd.s32 $0xC00, s25;
	[sflag:s17] =	ssyncadd.s32 $0xFFFFC000  }
0x52: {  	[spmem:s3] =	stream.indirect.scatter.add.f32 [tilespmem:s21], [sflag:$0x1], $0x80, s24, s20, $0xb8;
	[tilespmem:$0x19800] =	vst v63  }
0x53: {  	_ =	swait.ge [sflag:s17], $0x4000  }
0x54: {  	s24 =	smov.u32 s26;
	[sflag:s17] =	ssyncset.done $0x0  }
0x55: {  	s23 =	sshra.s32 s23, $0x2;
	[sflag:s17] =	ssyncadd.s32 $0xFFFFC000  }
0x56: {  	[tilespmem:s21], [sflag:$0x1] =	stream.indirect.gather [hbm4b:s2+s20], $0x80, s23, s20, $0xb8;
	[tilespmem:$0x19800] =	vst v63  }
0x57: {  	_ =	swait.ge [sflag:s17], $0x4000  }
0x58: {  	[sflag:s17] =	ssyncset.done $0x0  }
0x59: {  	s23 =	sadd.s32 $0xC00, s23;
	[sflag:s17] =	ssyncadd.s32 $0xFFFFC000  }
0x5a: {  	[spmem:s3] =	stream.indirect.scatter.add.f32 [tilespmem:s21], [sflag:$0x1], $0x80, s23, s20, $0xb8;
	[tilespmem:$0x19800] =	vst v63  }
0x5b: {  	_ =	swait.ge [sflag:s17], $0x4000  }
0x5c: {  	[sflag:s17] =	ssyncset.done $0x0  }
0x5d: {  	[sflag:s17] =	ssyncadd.s32 $0xFFFFC000  }
0x5e: {  	[bflag:$0x0] =	sbarrier.arrive $0xFFFF  }
0x5f: {  	[hbm:s10], [sflag:s18] =	dma.local [spmem:s19], $0x2800  }
0x60: {  	_ =	swait.ge [sflag:s17], $0x2800  }
0x61: {  	[sflag:s17] =	ssyncset.done $0x0  }
0x62: {  	[sflag:s17] =	ssyncadd.s32 $0xFFFFD800  }
0x63: {  	[spmem:s19], [sflag:s18] =	dma.local [hbm:s5], $0x2800  }
0x64: {  	_ =	swait.ge [sflag:s17], $0x2800  }
0x65: {  	[sflag:s17] =	ssyncset.done $0x0  }
0x66: {  	s29 =	simm.s32 $0x0;
	[sflag:s17] =	ssyncadd.s32 $0xFFFFD800  }
0x67: {  	[tilespmem:s29], [sflag:$0x1] =	stream.linear.gather [hbm4b:s11+s29], $0xA00, $0x38;
	[tilespmem:$0x19800] =	vst v63  }
0x68: {  	_ =	swait.ge [sflag:s17], $0xA00  }
0x69: {  	[sflag:s17] =	ssyncset.done $0x0  }
0x6a: {  	[sflag:s17] =	ssyncadd.s32 $0xFFFFF600  }
0x6b: {  	s30 =	simm.s32 $0x0;
	[bflag:$0x0] =	sbarrier.arrive $0xFFFF  }
0x6c: {  	[tilespmem:s21], [sflag:$0x1] =	stream.indirect.gather [hbm4b:s2+s20], $0x80, s30, s20, $0xb8;
	[tilespmem:$0x19800] =	vst v63  }
0x6d: {  	_ =	swait.ge [sflag:s17], $0x4000  }
0x6e: {  	[sflag:s17] =	ssyncset.done $0x0  }
0x6f: {  	s31 =	simm.s32 $0xC00;
	[sflag:s17] =	ssyncadd.s32 $0xFFFFC000  }
0x70: {  	[spmem:s3] =	stream.indirect.scatter.add.f32 [tilespmem:s21], [sflag:$0x1], $0x80, s31, s20, $0xb8;
	[tilespmem:$0x19800] =	vst v63  }
0x71: {  	_ =	swait.ge [sflag:s17], $0x4000  }
0x72: {  	s24 =	simm.s32 $0x400;
	s23 =	simm.s32 $0x200;
	[sflag:s17] =	ssyncset.done $0x0  }
.LBB2_6:
0x73: {  	s25 =	sshra.s32 s23, $0x2  }
0x74: {  	[sflag:s17] =	ssyncadd.s32 $0xFFFFC000;
	s23 =	smov.u32 s24;
	s26 =	sadd.s32 $0x200, s24  }
0x75: {  	[tilespmem:s21], [sflag:$0x1] =	stream.indirect.gather [hbm4b:s2+s20], $0x80, s25, s20, $0xb8;
	[tilespmem:$0x19800] =	vst v63  }
0x76: {  	p0 =	sne.s32 s24, $0x2600;
	_ =	swait.ge [sflag:s17], $0x4000  }
.Ltmp2:
0x77: {  	[sflag:s17] =	ssyncset.done $0x0;
	(pc) =	sbr.rel @p0 .LBB2_6-.Ltmp2, $4  }
0x78: {  	s24 =	sadd.s32 $0xC00, s25;
	[sflag:s17] =	ssyncadd.s32 $0xFFFFC000  }
0x79: {  	[spmem:s3] =	stream.indirect.scatter.add.f32 [tilespmem:s21], [sflag:$0x1], $0x80, s24, s20, $0xb8;
	[tilespmem:$0x19800] =	vst v63  }
0x7a: {  	_ =	swait.ge [sflag:s17], $0x4000  }
0x7b: {  	s24 =	smov.u32 s26;
	[sflag:s17] =	ssyncset.done $0x0  }
0x7c: {  	s23 =	sshra.s32 s23, $0x2;
	[sflag:s17] =	ssyncadd.s32 $0xFFFFC000  }
0x7d: {  	[tilespmem:s21], [sflag:$0x1] =	stream.indirect.gather [hbm4b:s2+s20], $0x80, s23, s20, $0xb8;
	[tilespmem:$0x19800] =	vst v63  }
0x7e: {  	_ =	swait.ge [sflag:s17], $0x4000  }
0x7f: {  	[sflag:s17] =	ssyncset.done $0x0  }
0x80: {  	s23 =	sadd.s32 $0xC00, s23;
	[sflag:s17] =	ssyncadd.s32 $0xFFFFC000  }
0x81: {  	[spmem:s3] =	stream.indirect.scatter.add.f32 [tilespmem:s21], [sflag:$0x1], $0x80, s23, s20, $0xb8;
	[tilespmem:$0x19800] =	vst v63  }
0x82: {  	_ =	swait.ge [sflag:s17], $0x4000  }
0x83: {  	[sflag:s17] =	ssyncset.done $0x0  }
0x84: {  	[sflag:s17] =	ssyncadd.s32 $0xFFFFC000  }
0x85: {  	[bflag:$0x0] =	sbarrier.arrive $0xFFFF  }
0x86: {  	[hbm:s12], [sflag:s18] =	dma.local [spmem:s19], $0x2800  }
0x87: {  	_ =	swait.ge [sflag:s17], $0x2800  }
0x88: {  	[sflag:s17] =	ssyncset.done $0x0  }
0x89: {  	[sflag:s17] =	ssyncadd.s32 $0xFFFFD800  }
0x8a: {  	[spmem:s19], [sflag:s18] =	dma.local [hbm:s5], $0x2800  }
0x8b: {  	_ =	swait.ge [sflag:s17], $0x2800  }
0x8c: {  	[sflag:s17] =	ssyncset.done $0x0  }
0x8d: {  	s29 =	simm.s32 $0x0;
	[sflag:s17] =	ssyncadd.s32 $0xFFFFD800  }
0x8e: {  	[tilespmem:s29], [sflag:$0x1] =	stream.linear.gather [hbm4b:s13+s29], $0xA00, $0x38;
	[tilespmem:$0x19800] =	vst v63  }
0x8f: {  	_ =	swait.ge [sflag:s17], $0xA00  }
0x90: {  	[sflag:s17] =	ssyncset.done $0x0  }
0x91: {  	[sflag:s17] =	ssyncadd.s32 $0xFFFFF600  }
0x92: {  	s30 =	simm.s32 $0x0;
	[bflag:$0x0] =	sbarrier.arrive $0xFFFF  }
0x93: {  	[tilespmem:s21], [sflag:$0x1] =	stream.indirect.gather [hbm4b:s2+s20], $0x80, s30, s20, $0xb8;
	[tilespmem:$0x19800] =	vst v63  }
0x94: {  	_ =	swait.ge [sflag:s17], $0x4000  }
0x95: {  	[sflag:s17] =	ssyncset.done $0x0  }
0x96: {  	s31 =	simm.s32 $0xC00;
	[sflag:s17] =	ssyncadd.s32 $0xFFFFC000  }
0x97: {  	[spmem:s3] =	stream.indirect.scatter.add.f32 [tilespmem:s21], [sflag:$0x1], $0x80, s31, s20, $0xb8;
	[tilespmem:$0x19800] =	vst v63  }
0x98: {  	_ =	swait.ge [sflag:s17], $0x4000  }
0x99: {  	s24 =	simm.s32 $0x400;
	s23 =	simm.s32 $0x200;
	[sflag:s17] =	ssyncset.done $0x0  }
.LBB2_8:
0x9a: {  	s25 =	sshra.s32 s23, $0x2  }
0x9b: {  	[sflag:s17] =	ssyncadd.s32 $0xFFFFC000;
	s23 =	smov.u32 s24;
	s26 =	sadd.s32 $0x200, s24  }
0x9c: {  	[tilespmem:s21], [sflag:$0x1] =	stream.indirect.gather [hbm4b:s2+s20], $0x80, s25, s20, $0xb8;
	[tilespmem:$0x19800] =	vst v63  }
0x9d: {  	p0 =	sne.s32 s24, $0x2600;
	_ =	swait.ge [sflag:s17], $0x4000  }
.Ltmp3:
0x9e: {  	[sflag:s17] =	ssyncset.done $0x0;
	(pc) =	sbr.rel @p0 .LBB2_8-.Ltmp3, $4  }
0x9f: {  	s24 =	sadd.s32 $0xC00, s25;
	[sflag:s17] =	ssyncadd.s32 $0xFFFFC000  }
0xa0: {  	[spmem:s3] =	stream.indirect.scatter.add.f32 [tilespmem:s21], [sflag:$0x1], $0x80, s24, s20, $0xb8;
	[tilespmem:$0x19800] =	vst v63  }
0xa1: {  	_ =	swait.ge [sflag:s17], $0x4000  }
0xa2: {  	s24 =	smov.u32 s26;
	[sflag:s17] =	ssyncset.done $0x0  }
0xa3: {  	s23 =	sshra.s32 s23, $0x2;
	[sflag:s17] =	ssyncadd.s32 $0xFFFFC000  }
0xa4: {  	[tilespmem:s21], [sflag:$0x1] =	stream.indirect.gather [hbm4b:s2+s20], $0x80, s23, s20, $0xb8;
	[tilespmem:$0x19800] =	vst v63  }
0xa5: {  	_ =	swait.ge [sflag:s17], $0x4000  }
0xa6: {  	[sflag:s17] =	ssyncset.done $0x0  }
0xa7: {  	s23 =	sadd.s32 $0xC00, s23;
	[sflag:s17] =	ssyncadd.s32 $0xFFFFC000  }
0xa8: {  	[spmem:s3] =	stream.indirect.scatter.add.f32 [tilespmem:s21], [sflag:$0x1], $0x80, s23, s20, $0xb8;
	[tilespmem:$0x19800] =	vst v63  }
0xa9: {  	_ =	swait.ge [sflag:s17], $0x4000  }
0xaa: {  	s22 =	sadd.s32 $0x1, s22;
	[sflag:s17] =	ssyncset.done $0x0  }
0xab: {  	p0 =	sne.s32 s22, s15;
	[sflag:s17] =	ssyncadd.s32 $0xFFFFC000  }
.Ltmp4:
0xac: {  	[bflag:$0x0] =	sbarrier.arrive $0xFFFF;
	(pc) =	sbr.rel @p0 .LBB2_1-.Ltmp4, $4  }
0xad: {  	[hbm:s14], [sflag:s18] =	dma.local [spmem:s19], $0x2800  }
0xae: {  	_ =	swait.ge [sflag:s17], $0x2800  }
0xaf: {  	[sflag:s17] =	ssyncset.done $0x0  }
0xb0: {  	[sflag:s17] =	ssyncadd.s32 $0xFFFFD800  }
0xb1: {  	_ =	sfence.sel $0x180000  }
0xb2: {  	[bflag:$0x0] =	sbarrier.arrive $0xFFFF  }
0xb3: {  	p0 =	sne.s32 s0, $0x0;
	_ =	strace $0x90000047  }
0xb4: {  	s0 =	sadd.s32 @!p0 $0x100000, s1;
	[bflag:$0x2] =	sbarrier.arrive $0xFFFF  }
0xb5: {  	[sflag:s0] =	ssyncadd.tile.s32 @!p0 $0x1;
	_ =	shalt  }
.Lfunc_end2:
_tile_overlayer_lowered:
.L_overlay_start_2:
0xb6: {  	(tag) =	ssettag $0x2  }
0xb7: {  	s0 =	rddreg [dreg:$0x0];
	s2 =	stileid.u32  }
0xb8: {  	s1 =	rddreg [dreg:$0x1];
	p0 =	sne.s32 s2, $0x0  }
0xb9: {  	s3 =	rddreg [dreg:$0x2];
	[bflag:$0x3] =	sbarrier.arrive $0xFFFF;
	s2 =	simm.s32 @!p0 $0x1C01  }
0xba: {  	[timem:s3], [sflag:s2] =	dma.local @!p0 [hbm:s0], s1  }
0xbb: {  	s0 =	simm.s32 @!p0 $0x1  }
0xbc: {  	_ =	swait.ge @!p0 [sflag:s0], s1  }
0xbd: {  	s1 =	ssub.s32 @!p0 $0x0, s1;
	[sflag:s0] =	ssyncset.done @!p0 $0x0  }
0xbe: {  	[sflag:s0] =	ssyncadd.s32 @!p0 s1  }
0xbf: {  	[bflag:$0x3] =	sbarrier.arrive $0xFFFF  }
0xc0: {  	_ =	shalt  }

</sc_bundles>
